<compile_context>
chip_gen: v7x
topology: tpu7x:2x2x1
jax: 0.10.2.dev20260603
libtpu: 0.0.44.dev20260713+nightly
codegen_flags: <defaults>
</compile_context>

<pallas_src>
import functools
import jax
import jax.numpy as jnp
import numpy as np
from jax import lax
from jax.experimental import pallas as pl
from jax.experimental.pallas import tpu as pltpu
from jax.experimental.pallas import tpu_sc as plsc

_ROWS = 8192
_COLS = 2048
_LANES = 16
_NV = _COLS // _LANES
_NW = 32
_ROWS_PER_W = _ROWS // _NW
_RBLK = 8
_NBLK = _ROWS_PER_W // _RBLK
_NRING = 4
_NITER = _NBLK // _NRING
_G = _RBLK


def _scan_block(src, dst):

    @plsc.parallel_loop(0, _NV, carry=(jnp.float32(0),) * _G, unroll=8)
    def _loop(i, carries):
        off = i * _LANES
        svals = []
        for u in range(_G):
            v = src[u, pl.ds(off, _LANES)]
            svals.append(plsc.cumsum(v))
        new = []
        for u in range(_G):
            dst[u, pl.ds(off, _LANES)] = svals[u] + carries[u]
            new.append(carries[u] + svals[u][_LANES - 1])
        return tuple(new)


def _sc_body(x_hbm, out_hbm, i0, i1, i2, i3, ou0, ou1,
             si0, si1, si2, si3, so0, so1):
    wid = lax.axis_index("s") * 2 + lax.axis_index("c")
    base = wid * _ROWS_PER_W
    ins = (i0, i1, i2, i3)
    isems = (si0, si1, si2, si3)
    outs = (ou0, ou1)
    osems = (so0, so1)

    def in_slice(b):
        return x_hbm.at[pl.ds(base + b * _RBLK, _RBLK)]

    def out_slice(b):
        return out_hbm.at[pl.ds(base + b * _RBLK, _RBLK)]

    for j in range(_NRING):
        pltpu.async_copy(in_slice(j), ins[j], isems[j])

    def body(k, c):
        for j in range(_NRING):
            b = _NRING * k + j
            p = j % 2
            pltpu.make_async_copy(in_slice(b), ins[j], isems[j]).wait()
            if j < 2:
                @pl.when(k > 0)
                def _():
                    pltpu.make_async_copy(outs[p], out_slice(b - 2),
                                          osems[p]).wait()
            else:
                pltpu.make_async_copy(outs[p], out_slice(b - 2),
                                      osems[p]).wait()
            _scan_block(ins[j], outs[p])
            pltpu.async_copy(outs[p], out_slice(b), osems[p])

            @pl.when(k < _NITER - 1)
            def _():
                pltpu.async_copy(in_slice(b + _NRING), ins[j], isems[j])
        return c

    lax.fori_loop(0, _NITER, body, 0, unroll=1)
    pltpu.make_async_copy(ou0, out_slice(_NBLK - 2), so0).wait()
    pltpu.make_async_copy(ou1, out_slice(_NBLK - 1), so1).wait()


@jax.jit
def kernel(x):
    mesh = plsc.VectorSubcoreMesh(core_axis_name="c", subcore_axis_name="s")
    run = pl.kernel(
        _sc_body,
        out_type=jax.ShapeDtypeStruct((_ROWS, _COLS), jnp.float32),
        mesh=mesh,
        scratch_types=[
            pltpu.VMEM((_RBLK, _COLS), jnp.float32),
            pltpu.VMEM((_RBLK, _COLS), jnp.float32),
            pltpu.VMEM((_RBLK, _COLS), jnp.float32),
            pltpu.VMEM((_RBLK, _COLS), jnp.float32),
            pltpu.VMEM((_RBLK, _COLS), jnp.float32),
            pltpu.VMEM((_RBLK, _COLS), jnp.float32),
            pltpu.SemaphoreType.DMA,
            pltpu.SemaphoreType.DMA,
            pltpu.SemaphoreType.DMA,
            pltpu.SemaphoreType.DMA,
            pltpu.SemaphoreType.DMA,
            pltpu.SemaphoreType.DMA,
        ],
        compiler_params=pltpu.CompilerParams(needs_layout_passes=False),
    )
    return run(x)

# --- scband reference (transcript-rebuilt; emitter-appended) ---
"""Pipeline reference for scband-model-new-23656679866840 (READ-ONLY COPY).

The authoritative reference and input builder live on the scoring server;
editing this copy changes nothing except your own understanding.
"""

import jax, jax.numpy as jnp
import numpy as np

def setup_inputs(seed: int = 0) -> dict:
    key = jax.random.key(seed)
    x = jax.random.normal(key, (8192, 2048), dtype=jnp.float32)
    return {"x": x}

def reference(x):
    # Faithful translation of functional_model: inclusive scan (cumsum) along dim=1
    return jnp.cumsum(x, axis=1)

if __name__ == "__main__":
    import jax
    _d = setup_inputs()
    print(jax.jit(kernel)(*tuple(_d.values())))

</pallas_src>

<mosaic_0001>
#map = affine_map<(d0, d1) -> (0, 0)>
module attributes {stable_mosaic.version = 14 : i64} {
  func.func @_sc_body(%arg0: i32, %arg1: i32, %arg2: memref<8192x2048xf32, #tpu.memory_space<hbm>>, %arg3: memref<8192x2048xf32, #tpu.memory_space<hbm>>, %arg4: memref<8x2048xf32, #tpu.memory_space<vmem>>, %arg5: memref<8x2048xf32, #tpu.memory_space<vmem>>, %arg6: memref<8x2048xf32, #tpu.memory_space<vmem>>, %arg7: memref<8x2048xf32, #tpu.memory_space<vmem>>, %arg8: memref<8x2048xf32, #tpu.memory_space<vmem>>, %arg9: memref<8x2048xf32, #tpu.memory_space<vmem>>, %arg10: memref<!tpu.dma_semaphore, #tpu.memory_space<semaphore_mem>>, %arg11: memref<!tpu.dma_semaphore, #tpu.memory_space<semaphore_mem>>, %arg12: memref<!tpu.dma_semaphore, #tpu.memory_space<semaphore_mem>>, %arg13: memref<!tpu.dma_semaphore, #tpu.memory_space<semaphore_mem>>, %arg14: memref<!tpu.dma_semaphore, #tpu.memory_space<semaphore_mem>>, %arg15: memref<!tpu.dma_semaphore, #tpu.memory_space<semaphore_mem>>) attributes {dimension_semantics = [#tpu.dimension_semantics<core_parallel>, #tpu.dimension_semantics<subcore_parallel>], iteration_bounds = array<i64: 2, 16>, scalar_prefetch = 0 : i64, scratch_operands = 12 : i64, tpu.core_type = #tpu.core_type<sc_vector_subcore>, window_params = [{transform_indices = #map}, {transform_indices = #map}]} {
    %mul3A = arith.constant 2 : i32
    %mul3A_0 = arith.muli %arg1, %mul3A : i32
    %add3A = arith.addi %mul3A_0, %arg0 : i32
    %mul3A_1 = arith.constant 256 : i32
    %mul3A_2 = arith.muli %add3A, %mul3A_1 : i32
    %add3A_3 = arith.constant 0 : i32
    %add3A_4 = arith.addi %mul3A_2, %add3A_3 : i32
    %dma_start3A = arith.constant 0 : i32
    %dma_start3A_5 = tpu.memref_slice %arg2[%add3A_4, %dma_start3A] : memref<8192x2048xf32, #tpu.memory_space<hbm>> -> memref<8x2048xf32, #tpu.memory_space<hbm>>
    %dma_start3A_6 = arith.constant 0 : i32
    %dma_start3A_7 = tpu.memref_slice %arg2[%add3A_4, %dma_start3A_6] : memref<8192x2048xf32, #tpu.memory_space<hbm>> -> memref<8x2048xf32, #tpu.memory_space<hbm>>
    tpu.enqueue_dma source(%dma_start3A_7 : memref<8x2048xf32, #tpu.memory_space<hbm>>) target(%arg4 : memref<8x2048xf32, #tpu.memory_space<vmem>>) target_semaphore(%arg10 : memref<!tpu.dma_semaphore, #tpu.memory_space<semaphore_mem>>)
    %add3A_8 = arith.constant 8 : i32
    %add3A_9 = arith.addi %mul3A_2, %add3A_8 : i32
    %dma_start3A_10 = arith.constant 0 : i32
    %dma_start3A_11 = tpu.memref_slice %arg2[%add3A_9, %dma_start3A_10] : memref<8192x2048xf32, #tpu.memory_space<hbm>> -> memref<8x2048xf32, #tpu.memory_space<hbm>>
    %dma_start3A_12 = arith.constant 0 : i32
    %dma_start3A_13 = tpu.memref_slice %arg2[%add3A_9, %dma_start3A_12] : memref<8192x2048xf32, #tpu.memory_space<hbm>> -> memref<8x2048xf32, #tpu.memory_space<hbm>>
    tpu.enqueue_dma source(%dma_start3A_13 : memref<8x2048xf32, #tpu.memory_space<hbm>>) target(%arg5 : memref<8x2048xf32, #tpu.memory_space<vmem>>) target_semaphore(%arg11 : memref<!tpu.dma_semaphore, #tpu.memory_space<semaphore_mem>>)
    %add3A_14 = arith.constant 16 : i32
    %add3A_15 = arith.addi %mul3A_2, %add3A_14 : i32
    %dma_start3A_16 = arith.constant 0 : i32
    %dma_start3A_17 = tpu.memref_slice %arg2[%add3A_15, %dma_start3A_16] : memref<8192x2048xf32, #tpu.memory_space<hbm>> -> memref<8x2048xf32, #tpu.memory_space<hbm>>
    %dma_start3A_18 = arith.constant 0 : i32
    %dma_start3A_19 = tpu.memref_slice %arg2[%add3A_15, %dma_start3A_18] : memref<8192x2048xf32, #tpu.memory_space<hbm>> -> memref<8x2048xf32, #tpu.memory_space<hbm>>
    tpu.enqueue_dma source(%dma_start3A_19 : memref<8x2048xf32, #tpu.memory_space<hbm>>) target(%arg6 : memref<8x2048xf32, #tpu.memory_space<vmem>>) target_semaphore(%arg12 : memref<!tpu.dma_semaphore, #tpu.memory_space<semaphore_mem>>)
    %add3A_20 = arith.constant 24 : i32
    %add3A_21 = arith.addi %mul3A_2, %add3A_20 : i32
    %dma_start3A_22 = arith.constant 0 : i32
    %dma_start3A_23 = tpu.memref_slice %arg2[%add3A_21, %dma_start3A_22] : memref<8192x2048xf32, #tpu.memory_space<hbm>> -> memref<8x2048xf32, #tpu.memory_space<hbm>>
    %dma_start3A_24 = arith.constant 0 : i32
    %dma_start3A_25 = tpu.memref_slice %arg2[%add3A_21, %dma_start3A_24] : memref<8192x2048xf32, #tpu.memory_space<hbm>> -> memref<8x2048xf32, #tpu.memory_space<hbm>>
    tpu.enqueue_dma source(%dma_start3A_25 : memref<8x2048xf32, #tpu.memory_space<hbm>>) target(%arg7 : memref<8x2048xf32, #tpu.memory_space<vmem>>) target_semaphore(%arg13 : memref<!tpu.dma_semaphore, #tpu.memory_space<semaphore_mem>>)
    %scan3A = arith.constant 0 : i32
    %scan3A_26 = arith.constant 0 : i32
    %scan3A_27 = arith.constant 8 : i32
    %scan3A_28 = arith.addi %scan3A_26, %scan3A_27 : i32
    %scan3A_29 = arith.constant 1 : i32
    scf.for %scan3A_42 = %scan3A_26 to %scan3A_28 step %scan3A_29  : i32 {
      %mul3A_43 = arith.constant 4 : i32
      %mul3A_44 = arith.muli %mul3A_43, %scan3A_42 : i32
      %add3A_45 = arith.constant 0 : i32
      %add3A_46 = arith.addi %mul3A_44, %add3A_45 : i32
      %mul3A_47 = arith.constant 8 : i32
      %mul3A_48 = arith.muli %add3A_46, %mul3A_47 : i32
      %add3A_49 = arith.addi %mul3A_2, %mul3A_48 : i32
      %dma_wait3A_50 = arith.constant 0 : i32
      %dma_wait3A_51 = tpu.memref_slice %arg2[%add3A_49, %dma_wait3A_50] : memref<8192x2048xf32, #tpu.memory_space<hbm>> -> memref<8x2048xf32, #tpu.memory_space<hbm>>
      %dma_wait3A_52 = arith.constant 0 : i32
      %dma_wait3A_53 = tpu.memref_slice %arg2[%add3A_49, %dma_wait3A_52] : memref<8192x2048xf32, #tpu.memory_space<hbm>> -> memref<8x2048xf32, #tpu.memory_space<hbm>>
      tpu.wait_dma2 semaphore(%arg10 : memref<!tpu.dma_semaphore, #tpu.memory_space<semaphore_mem>>) src(%dma_wait3A_53 : memref<8x2048xf32, #tpu.memory_space<hbm>>) dst(%arg4 : memref<8x2048xf32, #tpu.memory_space<vmem>>)
      %gt3A = arith.constant 0 : i32
      %gt3A_54 = arith.cmpi sgt, %scan3A_42, %gt3A : i32
      %convert_element_type3A = arith.extui %gt3A_54 : i1 to i32
      %cond3A = arith.constant 0 : i32
      %cond3A_55 = arith.cmpi ne, %convert_element_type3A, %cond3A : i32
      scf.if %cond3A_55 {
        %sub3A_205 = arith.constant 2 : i32
        %sub3A_206 = arith.subi %add3A_46, %sub3A_205 : i32
        %mul3A_207 = arith.constant 8 : i32
        %mul3A_208 = arith.muli %sub3A_206, %mul3A_207 : i32
        %add3A_209 = arith.addi %mul3A_2, %mul3A_208 : i32
        %dma_wait3A_210 = arith.constant 0 : i32
        %dma_wait3A_211 = tpu.memref_slice %arg3[%add3A_209, %dma_wait3A_210] : memref<8192x2048xf32, #tpu.memory_space<hbm>> -> memref<8x2048xf32, #tpu.memory_space<hbm>>
        %dma_wait3A_212 = arith.constant 0 : i32
        %dma_wait3A_213 = tpu.memref_slice %arg3[%add3A_209, %dma_wait3A_212] : memref<8192x2048xf32, #tpu.memory_space<hbm>> -> memref<8x2048xf32, #tpu.memory_space<hbm>>
        tpu.wait_dma2 semaphore(%arg14 : memref<!tpu.dma_semaphore, #tpu.memory_space<semaphore_mem>>) src(%arg8 : memref<8x2048xf32, #tpu.memory_space<vmem>>) dst(%dma_wait3A_213 : memref<8x2048xf32, #tpu.memory_space<hbm>>)
      } else {
      }
      %parallel_loop3A = arith.constant 0 : i32
      %parallel_loop3A_56 = arith.constant 128 : i32
      %parallel_loop3A_57 = arith.constant 1 : i32
      %parallel_loop3A_58 = arith.constant 0.000000e+00 : f32
      %parallel_loop3A_59 = arith.constant 0.000000e+00 : f32
      %parallel_loop3A_60 = arith.constant 0.000000e+00 : f32
      %parallel_loop3A_61 = arith.constant 0.000000e+00 : f32
      %parallel_loop3A_62 = arith.constant 0.000000e+00 : f32
      %parallel_loop3A_63 = arith.constant 0.000000e+00 : f32
      %parallel_loop3A_64 = arith.constant 0.000000e+00 : f32
      %parallel_loop3A_65 = arith.constant 0.000000e+00 : f32
      %parallel_loop3A_66:8 = scf.for %parallel_loop3A_205 = %parallel_loop3A to %parallel_loop3A_56 step %parallel_loop3A_57 iter_args(%parallel_loop3A_206 = %parallel_loop3A_58, %parallel_loop3A_207 = %parallel_loop3A_59, %parallel_loop3A_208 = %parallel_loop3A_60, %parallel_loop3A_209 = %parallel_loop3A_61, %parallel_loop3A_210 = %parallel_loop3A_62, %parallel_loop3A_211 = %parallel_loop3A_63, %parallel_loop3A_212 = %parallel_loop3A_64, %parallel_loop3A_213 = %parallel_loop3A_65) -> (f32, f32, f32, f32, f32, f32, f32, f32)  : i32 {
        %parallel_loop3A_214 = arith.constant 16 : i32
        %parallel_loop3A_215 = arith.muli %parallel_loop3A_205, %parallel_loop3A_214 : i32
        %parallel_loop3A_216 = arith.constant 0 : i32
        %parallel_loop3A_217 = arith.index_cast %parallel_loop3A_216 : i32 to index
        %parallel_loop3A_218 = arith.index_cast %parallel_loop3A_215 : i32 to index
        %parallel_loop3A_219 = tpu.vector_load %arg4[%parallel_loop3A_217, %parallel_loop3A_218] {strides = array<i32>} : memref<8x2048xf32, #tpu.memory_space<vmem>>, vector<16xf32>,
        %parallel_loop3A_220 = arith.constant true
        %parallel_loop3A_221 = vector.broadcast %parallel_loop3A_220 : i1 to vector<16xi1>
        %parallel_loop3A_222 = tpu.scan <sum>, %parallel_loop3A_219 masked %parallel_loop3A_221 : vector<16xf32>, vector<16xi1> -> vector<16xf32>
        %parallel_loop3A_223 = arith.constant 1 : i32
        %parallel_loop3A_224 = arith.index_cast %parallel_loop3A_223 : i32 to index
        %parallel_loop3A_225 = arith.index_cast %parallel_loop3A_215 : i32 to index
        %parallel_loop3A_226 = tpu.vector_load %arg4[%parallel_loop3A_224, %parallel_loop3A_225] {strides = array<i32>} : memref<8x2048xf32, #tpu.memory_space<vmem>>, vector<16xf32>,
        %parallel_loop3A_227 = arith.constant true
        %parallel_loop3A_228 = vector.broadcast %parallel_loop3A_227 : i1 to vector<16xi1>
        %parallel_loop3A_229 = tpu.scan <sum>, %parallel_loop3A_226 masked %parallel_loop3A_228 : vector<16xf32>, vector<16xi1> -> vector<16xf32>
        %parallel_loop3A_230 = arith.constant 2 : i32
        %parallel_loop3A_231 = arith.index_cast %parallel_loop3A_230 : i32 to index
        %parallel_loop3A_232 = arith.index_cast %parallel_loop3A_215 : i32 to index
        %parallel_loop3A_233 = tpu.vector_load %arg4[%parallel_loop3A_231, %parallel_loop3A_232] {strides = array<i32>} : memref<8x2048xf32, #tpu.memory_space<vmem>>, vector<16xf32>,
        %parallel_loop3A_234 = arith.constant true
        %parallel_loop3A_235 = vector.broadcast %parallel_loop3A_234 : i1 to vector<16xi1>
        %parallel_loop3A_236 = tpu.scan <sum>, %parallel_loop3A_233 masked %parallel_loop3A_235 : vector<16xf32>, vector<16xi1> -> vector<16xf32>
        %parallel_loop3A_237 = arith.constant 3 : i32
        %parallel_loop3A_238 = arith.index_cast %parallel_loop3A_237 : i32 to index
        %parallel_loop3A_239 = arith.index_cast %parallel_loop3A_215 : i32 to index
        %parallel_loop3A_240 = tpu.vector_load %arg4[%parallel_loop3A_238, %parallel_loop3A_239] {strides = array<i32>} : memref<8x2048xf32, #tpu.memory_space<vmem>>, vector<16xf32>,
        %parallel_loop3A_241 = arith.constant true
        %parallel_loop3A_242 = vector.broadcast %parallel_loop3A_241 : i1 to vector<16xi1>
        %parallel_loop3A_243 = tpu.scan <sum>, %parallel_loop3A_240 masked %parallel_loop3A_242 : vector<16xf32>, vector<16xi1> -> vector<16xf32>
        %parallel_loop3A_244 = arith.constant 4 : i32
        %parallel_loop3A_245 = arith.index_cast %parallel_loop3A_244 : i32 to index
        %parallel_loop3A_246 = arith.index_cast %parallel_loop3A_215 : i32 to index
        %parallel_loop3A_247 = tpu.vector_load %arg4[%parallel_loop3A_245, %parallel_loop3A_246] {strides = array<i32>} : memref<8x2048xf32, #tpu.memory_space<vmem>>, vector<16xf32>,
        %parallel_loop3A_248 = arith.constant true
        %parallel_loop3A_249 = vector.broadcast %parallel_loop3A_248 : i1 to vector<16xi1>
        %parallel_loop3A_250 = tpu.scan <sum>, %parallel_loop3A_247 masked %parallel_loop3A_249 : vector<16xf32>, vector<16xi1> -> vector<16xf32>
        %parallel_loop3A_251 = arith.constant 5 : i32
        %parallel_loop3A_252 = arith.index_cast %parallel_loop3A_251 : i32 to index
        %parallel_loop3A_253 = arith.index_cast %parallel_loop3A_215 : i32 to index
        %parallel_loop3A_254 = tpu.vector_load %arg4[%parallel_loop3A_252, %parallel_loop3A_253] {strides = array<i32>} : memref<8x2048xf32, #tpu.memory_space<vmem>>, vector<16xf32>,
        %parallel_loop3A_255 = arith.constant true
        %parallel_loop3A_256 = vector.broadcast %parallel_loop3A_255 : i1 to vector<16xi1>
        %parallel_loop3A_257 = tpu.scan <sum>, %parallel_loop3A_254 masked %parallel_loop3A_256 : vector<16xf32>, vector<16xi1> -> vector<16xf32>
        %parallel_loop3A_258 = arith.constant 6 : i32
        %parallel_loop3A_259 = arith.index_cast %parallel_loop3A_258 : i32 to index
        %parallel_loop3A_260 = arith.index_cast %parallel_loop3A_215 : i32 to index
        %parallel_loop3A_261 = tpu.vector_load %arg4[%parallel_loop3A_259, %parallel_loop3A_260] {strides = array<i32>} : memref<8x2048xf32, #tpu.memory_space<vmem>>, vector<16xf32>,
        %parallel_loop3A_262 = arith.constant true
        %parallel_loop3A_263 = vector.broadcast %parallel_loop3A_262 : i1 to vector<16xi1>
        %parallel_loop3A_264 = tpu.scan <sum>, %parallel_loop3A_261 masked %parallel_loop3A_263 : vector<16xf32>, vector<16xi1> -> vector<16xf32>
        %parallel_loop3A_265 = arith.constant 7 : i32
        %parallel_loop3A_266 = arith.index_cast %parallel_loop3A_265 : i32 to index
        %parallel_loop3A_267 = arith.index_cast %parallel_loop3A_215 : i32 to index
        %parallel_loop3A_268 = tpu.vector_load %arg4[%parallel_loop3A_266, %parallel_loop3A_267] {strides = array<i32>} : memref<8x2048xf32, #tpu.memory_space<vmem>>, vector<16xf32>,
        %parallel_loop3A_269 = arith.constant true
        %parallel_loop3A_270 = vector.broadcast %parallel_loop3A_269 : i1 to vector<16xi1>
        %parallel_loop3A_271 = tpu.scan <sum>, %parallel_loop3A_268 masked %parallel_loop3A_270 : vector<16xf32>, vector<16xi1> -> vector<16xf32>
        %parallel_loop3A_272 = vector.broadcast %parallel_loop3A_206 : f32 to vector<16xf32>
        %parallel_loop3A_273 = arith.addf %parallel_loop3A_222, %parallel_loop3A_272 : vector<16xf32>
        %parallel_loop3A_274 = arith.constant 0 : i32
        %parallel_loop3A_275 = arith.index_cast %parallel_loop3A_274 : i32 to index
        %parallel_loop3A_276 = arith.index_cast %parallel_loop3A_215 : i32 to index
        %parallel_loop3A_277 = tpu.vector_load %arg8[%parallel_loop3A_275, %parallel_loop3A_276] {strides = array<i32>} : memref<8x2048xf32, #tpu.memory_space<vmem>>, vector<16xf32>,
        tpu.vector_store %arg8[%parallel_loop3A_275, %parallel_loop3A_276], %parallel_loop3A_273 {strides = array<i32>} : memref<8x2048xf32, #tpu.memory_space<vmem>>, vector<16xf32>,
        %parallel_loop3A_278 = vector.extract_strided_slice %parallel_loop3A_222 {offsets = [15], sizes = [1], strides = [1]} : vector<16xf32> to vector<1xf32>
        %parallel_loop3A_279 = vector.extract %parallel_loop3A_278[0] : f32 from vector<1xf32>
        %parallel_loop3A_280 = arith.addf %parallel_loop3A_206, %parallel_loop3A_279 : f32
        %parallel_loop3A_281 = vector.broadcast %parallel_loop3A_207 : f32 to vector<16xf32>
        %parallel_loop3A_282 = arith.addf %parallel_loop3A_229, %parallel_loop3A_281 : vector<16xf32>
        %parallel_loop3A_283 = arith.constant 1 : i32
        %parallel_loop3A_284 = arith.index_cast %parallel_loop3A_283 : i32 to index
        %parallel_loop3A_285 = arith.index_cast %parallel_loop3A_215 : i32 to index
        %parallel_loop3A_286 = tpu.vector_load %arg8[%parallel_loop3A_284, %parallel_loop3A_285] {strides = array<i32>} : memref<8x2048xf32, #tpu.memory_space<vmem>>, vector<16xf32>,
        tpu.vector_store %arg8[%parallel_loop3A_284, %parallel_loop3A_285], %parallel_loop3A_282 {strides = array<i32>} : memref<8x2048xf32, #tpu.memory_space<vmem>>, vector<16xf32>,
        %parallel_loop3A_287 = vector.extract_strided_slice %parallel_loop3A_229 {offsets = [15], sizes = [1], strides = [1]} : vector<16xf32> to vector<1xf32>
        %parallel_loop3A_288 = vector.extract %parallel_loop3A_287[0] : f32 from vector<1xf32>
        %parallel_loop3A_289 = arith.addf %parallel_loop3A_207, %parallel_loop3A_288 : f32
        %parallel_loop3A_290 = vector.broadcast %parallel_loop3A_208 : f32 to vector<16xf32>
        %parallel_loop3A_291 = arith.addf %parallel_loop3A_236, %parallel_loop3A_290 : vector<16xf32>
        %parallel_loop3A_292 = arith.constant 2 : i32
        %parallel_loop3A_293 = arith.index_cast %parallel_loop3A_292 : i32 to index
        %parallel_loop3A_294 = arith.index_cast %parallel_loop3A_215 : i32 to index
        %parallel_loop3A_295 = tpu.vector_load %arg8[%parallel_loop3A_293, %parallel_loop3A_294] {strides = array<i32>} : memref<8x2048xf32, #tpu.memory_space<vmem>>, vector<16xf32>,
        tpu.vector_store %arg8[%parallel_loop3A_293, %parallel_loop3A_294], %parallel_loop3A_291 {strides = array<i32>} : memref<8x2048xf32, #tpu.memory_space<vmem>>, vector<16xf32>,
        %parallel_loop3A_296 = vector.extract_strided_slice %parallel_loop3A_236 {offsets = [15], sizes = [1], strides = [1]} : vector<16xf32> to vector<1xf32>
        %parallel_loop3A_297 = vector.extract %parallel_loop3A_296[0] : f32 from vector<1xf32>
        %parallel_loop3A_298 = arith.addf %parallel_loop3A_208, %parallel_loop3A_297 : f32
        %parallel_loop3A_299 = vector.broadcast %parallel_loop3A_209 : f32 to vector<16xf32>
        %parallel_loop3A_300 = arith.addf %parallel_loop3A_243, %parallel_loop3A_299 : vector<16xf32>
        %parallel_loop3A_301 = arith.constant 3 : i32
        %parallel_loop3A_302 = arith.index_cast %parallel_loop3A_301 : i32 to index
        %parallel_loop3A_303 = arith.index_cast %parallel_loop3A_215 : i32 to index
        %parallel_loop3A_304 = tpu.vector_load %arg8[%parallel_loop3A_302, %parallel_loop3A_303] {strides = array<i32>} : memref<8x2048xf32, #tpu.memory_space<vmem>>, vector<16xf32>,
        tpu.vector_store %arg8[%parallel_loop3A_302, %parallel_loop3A_303], %parallel_loop3A_300 {strides = array<i32>} : memref<8x2048xf32, #tpu.memory_space<vmem>>, vector<16xf32>,
        %parallel_loop3A_305 = vector.extract_strided_slice %parallel_loop3A_243 {offsets = [15], sizes = [1], strides = [1]} : vector<16xf32> to vector<1xf32>
        %parallel_loop3A_306 = vector.extract %parallel_loop3A_305[0] : f32 from vector<1xf32>
        %parallel_loop3A_307 = arith.addf %parallel_loop3A_209, %parallel_loop3A_306 : f32
        %parallel_loop3A_308 = vector.broadcast %parallel_loop3A_210 : f32 to vector<16xf32>
        %parallel_loop3A_309 = arith.addf %parallel_loop3A_250, %parallel_loop3A_308 : vector<16xf32>
        %parallel_loop3A_310 = arith.constant 4 : i32
        %parallel_loop3A_311 = arith.index_cast %parallel_loop3A_310 : i32 to index
        %parallel_loop3A_312 = arith.index_cast %parallel_loop3A_215 : i32 to index
        %parallel_loop3A_313 = tpu.vector_load %arg8[%parallel_loop3A_311, %parallel_loop3A_312] {strides = array<i32>} : memref<8x2048xf32, #tpu.memory_space<vmem>>, vector<16xf32>,
        tpu.vector_store %arg8[%parallel_loop3A_311, %parallel_loop3A_312], %parallel_loop3A_309 {strides = array<i32>} : memref<8x2048xf32, #tpu.memory_space<vmem>>, vector<16xf32>,
        %parallel_loop3A_314 = vector.extract_strided_slice %parallel_loop3A_250 {offsets = [15], sizes = [1], strides = [1]} : vector<16xf32> to vector<1xf32>
        %parallel_loop3A_315 = vector.extract %parallel_loop3A_314[0] : f32 from vector<1xf32>
        %parallel_loop3A_316 = arith.addf %parallel_loop3A_210, %parallel_loop3A_315 : f32
        %parallel_loop3A_317 = vector.broadcast %parallel_loop3A_211 : f32 to vector<16xf32>
        %parallel_loop3A_318 = arith.addf %parallel_loop3A_257, %parallel_loop3A_317 : vector<16xf32>
        %parallel_loop3A_319 = arith.constant 5 : i32
        %parallel_loop3A_320 = arith.index_cast %parallel_loop3A_319 : i32 to index
        %parallel_loop3A_321 = arith.index_cast %parallel_loop3A_215 : i32 to index
        %parallel_loop3A_322 = tpu.vector_load %arg8[%parallel_loop3A_320, %parallel_loop3A_321] {strides = array<i32>} : memref<8x2048xf32, #tpu.memory_space<vmem>>, vector<16xf32>,
        tpu.vector_store %arg8[%parallel_loop3A_320, %parallel_loop3A_321], %parallel_loop3A_318 {strides = array<i32>} : memref<8x2048xf32, #tpu.memory_space<vmem>>, vector<16xf32>,
        %parallel_loop3A_323 = vector.extract_strided_slice %parallel_loop3A_257 {offsets = [15], sizes = [1], strides = [1]} : vector<16xf32> to vector<1xf32>
        %parallel_loop3A_324 = vector.extract %parallel_loop3A_323[0] : f32 from vector<1xf32>
        %parallel_loop3A_325 = arith.addf %parallel_loop3A_211, %parallel_loop3A_324 : f32
        %parallel_loop3A_326 = vector.broadcast %parallel_loop3A_212 : f32 to vector<16xf32>
        %parallel_loop3A_327 = arith.addf %parallel_loop3A_264, %parallel_loop3A_326 : vector<16xf32>
        %parallel_loop3A_328 = arith.constant 6 : i32
        %parallel_loop3A_329 = arith.index_cast %parallel_loop3A_328 : i32 to index
        %parallel_loop3A_330 = arith.index_cast %parallel_loop3A_215 : i32 to index
        %parallel_loop3A_331 = tpu.vector_load %arg8[%parallel_loop3A_329, %parallel_loop3A_330] {strides = array<i32>} : memref<8x2048xf32, #tpu.memory_space<vmem>>, vector<16xf32>,
        tpu.vector_store %arg8[%parallel_loop3A_329, %parallel_loop3A_330], %parallel_loop3A_327 {strides = array<i32>} : memref<8x2048xf32, #tpu.memory_space<vmem>>, vector<16xf32>,
        %parallel_loop3A_332 = vector.extract_strided_slice %parallel_loop3A_264 {offsets = [15], sizes = [1], strides = [1]} : vector<16xf32> to vector<1xf32>
        %parallel_loop3A_333 = vector.extract %parallel_loop3A_332[0] : f32 from vector<1xf32>
        %parallel_loop3A_334 = arith.addf %parallel_loop3A_212, %parallel_loop3A_333 : f32
        %parallel_loop3A_335 = vector.broadcast %parallel_loop3A_213 : f32 to vector<16xf32>
        %parallel_loop3A_336 = arith.addf %parallel_loop3A_271, %parallel_loop3A_335 : vector<16xf32>
        %parallel_loop3A_337 = arith.constant 7 : i32
        %parallel_loop3A_338 = arith.index_cast %parallel_loop3A_337 : i32 to index
        %parallel_loop3A_339 = arith.index_cast %parallel_loop3A_215 : i32 to index
        %parallel_loop3A_340 = tpu.vector_load %arg8[%parallel_loop3A_338, %parallel_loop3A_339] {strides = array<i32>} : memref<8x2048xf32, #tpu.memory_space<vmem>>, vector<16xf32>,
        tpu.vector_store %arg8[%parallel_loop3A_338, %parallel_loop3A_339], %parallel_loop3A_336 {strides = array<i32>} : memref<8x2048xf32, #tpu.memory_space<vmem>>, vector<16xf32>,
        %parallel_loop3A_341 = vector.extract_strided_slice %parallel_loop3A_271 {offsets = [15], sizes = [1], strides = [1]} : vector<16xf32> to vector<1xf32>
        %parallel_loop3A_342 = vector.extract %parallel_loop3A_341[0] : f32 from vector<1xf32>
        %parallel_loop3A_343 = arith.addf %parallel_loop3A_213, %parallel_loop3A_342 : f32
        scf.yield %parallel_loop3A_280, %parallel_loop3A_289, %parallel_loop3A_298, %parallel_loop3A_307, %parallel_loop3A_316, %parallel_loop3A_325, %parallel_loop3A_334, %parallel_loop3A_343 : f32, f32, f32, f32, f32, f32, f32, f32
      } {sc.loop_unroll_factor = 8 : i64, sc.parallel_access}
      %mul3A_67 = arith.constant 8 : i32
      %mul3A_68 = arith.muli %add3A_46, %mul3A_67 : i32
      %add3A_69 = arith.addi %mul3A_2, %mul3A_68 : i32
      %dma_start3A_70 = arith.constant 0 : i32
      %dma_start3A_71 = tpu.memref_slice %arg3[%add3A_69, %dma_start3A_70] : memref<8192x2048xf32, #tpu.memory_space<hbm>> -> memref<8x2048xf32, #tpu.memory_space<hbm>>
      %dma_start3A_72 = arith.constant 0 : i32
      %dma_start3A_73 = tpu.memref_slice %arg3[%add3A_69, %dma_start3A_72] : memref<8192x2048xf32, #tpu.memory_space<hbm>> -> memref<8x2048xf32, #tpu.memory_space<hbm>>
      tpu.enqueue_dma source(%arg8 : memref<8x2048xf32, #tpu.memory_space<vmem>>) target(%dma_start3A_73 : memref<8x2048xf32, #tpu.memory_space<hbm>>) target_semaphore(%arg14 : memref<!tpu.dma_semaphore, #tpu.memory_space<semaphore_mem>>)
      %lt3A = arith.constant 7 : i32
      %lt3A_74 = arith.cmpi slt, %scan3A_42, %lt3A : i32
      %convert_element_type3A_75 = arith.extui %lt3A_74 : i1 to i32
      %cond3A_76 = arith.constant 0 : i32
      %cond3A_77 = arith.cmpi ne, %convert_element_type3A_75, %cond3A_76 : i32
      scf.if %cond3A_77 {
        %add3A_205 = arith.constant 4 : i32
        %add3A_206 = arith.addi %add3A_46, %add3A_205 : i32
        %mul3A_207 = arith.constant 8 : i32
        %mul3A_208 = arith.muli %add3A_206, %mul3A_207 : i32
        %add3A_209 = arith.addi %mul3A_2, %mul3A_208 : i32
        %dma_start3A_210 = arith.constant 0 : i32
        %dma_start3A_211 = tpu.memref_slice %arg2[%add3A_209, %dma_start3A_210] : memref<8192x2048xf32, #tpu.memory_space<hbm>> -> memref<8x2048xf32, #tpu.memory_space<hbm>>
        %dma_start3A_212 = arith.constant 0 : i32
        %dma_start3A_213 = tpu.memref_slice %arg2[%add3A_209, %dma_start3A_212] : memref<8192x2048xf32, #tpu.memory_space<hbm>> -> memref<8x2048xf32, #tpu.memory_space<hbm>>
        tpu.enqueue_dma source(%dma_start3A_213 : memref<8x2048xf32, #tpu.memory_space<hbm>>) target(%arg4 : memref<8x2048xf32, #tpu.memory_space<vmem>>) target_semaphore(%arg10 : memref<!tpu.dma_semaphore, #tpu.memory_space<semaphore_mem>>)
      } else {
      }
      %mul3A_78 = arith.constant 4 : i32
      %mul3A_79 = arith.muli %mul3A_78, %scan3A_42 : i32
      %add3A_80 = arith.constant 1 : i32
      %add3A_81 = arith.addi %mul3A_79, %add3A_80 : i32
      %mul3A_82 = arith.constant 8 : i32
      %mul3A_83 = arith.muli %add3A_81, %mul3A_82 : i32
      %add3A_84 = arith.addi %mul3A_2, %mul3A_83 : i32
      %dma_wait3A_85 = arith.constant 0 : i32
      %dma_wait3A_86 = tpu.memref_slice %arg2[%add3A_84, %dma_wait3A_85] : memref<8192x2048xf32, #tpu.memory_space<hbm>> -> memref<8x2048xf32, #tpu.memory_space<hbm>>
      %dma_wait3A_87 = arith.constant 0 : i32
      %dma_wait3A_88 = tpu.memref_slice %arg2[%add3A_84, %dma_wait3A_87] : memref<8192x2048xf32, #tpu.memory_space<hbm>> -> memref<8x2048xf32, #tpu.memory_space<hbm>>
      tpu.wait_dma2 semaphore(%arg11 : memref<!tpu.dma_semaphore, #tpu.memory_space<semaphore_mem>>) src(%dma_wait3A_88 : memref<8x2048xf32, #tpu.memory_space<hbm>>) dst(%arg5 : memref<8x2048xf32, #tpu.memory_space<vmem>>)
      %gt3A_89 = arith.constant 0 : i32
      %gt3A_90 = arith.cmpi sgt, %scan3A_42, %gt3A_89 : i32
      %convert_element_type3A_91 = arith.extui %gt3A_90 : i1 to i32
      %cond3A_92 = arith.constant 0 : i32
      %cond3A_93 = arith.cmpi ne, %convert_element_type3A_91, %cond3A_92 : i32
      scf.if %cond3A_93 {
        %sub3A_205 = arith.constant 2 : i32
        %sub3A_206 = arith.subi %add3A_81, %sub3A_205 : i32
        %mul3A_207 = arith.constant 8 : i32
        %mul3A_208 = arith.muli %sub3A_206, %mul3A_207 : i32
        %add3A_209 = arith.addi %mul3A_2, %mul3A_208 : i32
        %dma_wait3A_210 = arith.constant 0 : i32
        %dma_wait3A_211 = tpu.memref_slice %arg3[%add3A_209, %dma_wait3A_210] : memref<8192x2048xf32, #tpu.memory_space<hbm>> -> memref<8x2048xf32, #tpu.memory_space<hbm>>
        %dma_wait3A_212 = arith.constant 0 : i32
        %dma_wait3A_213 = tpu.memref_slice %arg3[%add3A_209, %dma_wait3A_212] : memref<8192x2048xf32, #tpu.memory_space<hbm>> -> memref<8x2048xf32, #tpu.memory_space<hbm>>
        tpu.wait_dma2 semaphore(%arg15 : memref<!tpu.dma_semaphore, #tpu.memory_space<semaphore_mem>>) src(%arg9 : memref<8x2048xf32, #tpu.memory_space<vmem>>) dst(%dma_wait3A_213 : memref<8x2048xf32, #tpu.memory_space<hbm>>)
      } else {
      }
      %parallel_loop3A_94 = arith.constant 0 : i32
      %parallel_loop3A_95 = arith.constant 128 : i32
      %parallel_loop3A_96 = arith.constant 1 : i32
      %parallel_loop3A_97 = arith.constant 0.000000e+00 : f32
      %parallel_loop3A_98 = arith.constant 0.000000e+00 : f32
      %parallel_loop3A_99 = arith.constant 0.000000e+00 : f32
      %parallel_loop3A_100 = arith.constant 0.000000e+00 : f32
      %parallel_loop3A_101 = arith.constant 0.000000e+00 : f32
      %parallel_loop3A_102 = arith.constant 0.000000e+00 : f32
      %parallel_loop3A_103 = arith.constant 0.000000e+00 : f32
      %parallel_loop3A_104 = arith.constant 0.000000e+00 : f32
      %parallel_loop3A_105:8 = scf.for %parallel_loop3A_205 = %parallel_loop3A_94 to %parallel_loop3A_95 step %parallel_loop3A_96 iter_args(%parallel_loop3A_206 = %parallel_loop3A_97, %parallel_loop3A_207 = %parallel_loop3A_98, %parallel_loop3A_208 = %parallel_loop3A_99, %parallel_loop3A_209 = %parallel_loop3A_100, %parallel_loop3A_210 = %parallel_loop3A_101, %parallel_loop3A_211 = %parallel_loop3A_102, %parallel_loop3A_212 = %parallel_loop3A_103, %parallel_loop3A_213 = %parallel_loop3A_104) -> (f32, f32, f32, f32, f32, f32, f32, f32)  : i32 {
        %parallel_loop3A_214 = arith.constant 16 : i32
        %parallel_loop3A_215 = arith.muli %parallel_loop3A_205, %parallel_loop3A_214 : i32
        %parallel_loop3A_216 = arith.constant 0 : i32
        %parallel_loop3A_217 = arith.index_cast %parallel_loop3A_216 : i32 to index
        %parallel_loop3A_218 = arith.index_cast %parallel_loop3A_215 : i32 to index
        %parallel_loop3A_219 = tpu.vector_load %arg5[%parallel_loop3A_217, %parallel_loop3A_218] {strides = array<i32>} : memref<8x2048xf32, #tpu.memory_space<vmem>>, vector<16xf32>,
        %parallel_loop3A_220 = arith.constant true
        %parallel_loop3A_221 = vector.broadcast %parallel_loop3A_220 : i1 to vector<16xi1>
        %parallel_loop3A_222 = tpu.scan <sum>, %parallel_loop3A_219 masked %parallel_loop3A_221 : vector<16xf32>, vector<16xi1> -> vector<16xf32>
        %parallel_loop3A_223 = arith.constant 1 : i32
        %parallel_loop3A_224 = arith.index_cast %parallel_loop3A_223 : i32 to index
        %parallel_loop3A_225 = arith.index_cast %parallel_loop3A_215 : i32 to index
        %parallel_loop3A_226 = tpu.vector_load %arg5[%parallel_loop3A_224, %parallel_loop3A_225] {strides = array<i32>} : memref<8x2048xf32, #tpu.memory_space<vmem>>, vector<16xf32>,
        %parallel_loop3A_227 = arith.constant true
        %parallel_loop3A_228 = vector.broadcast %parallel_loop3A_227 : i1 to vector<16xi1>
        %parallel_loop3A_229 = tpu.scan <sum>, %parallel_loop3A_226 masked %parallel_loop3A_228 : vector<16xf32>, vector<16xi1> -> vector<16xf32>
        %parallel_loop3A_230 = arith.constant 2 : i32
        %parallel_loop3A_231 = arith.index_cast %parallel_loop3A_230 : i32 to index
        %parallel_loop3A_232 = arith.index_cast %parallel_loop3A_215 : i32 to index
        %parallel_loop3A_233 = tpu.vector_load %arg5[%parallel_loop3A_231, %parallel_loop3A_232] {strides = array<i32>} : memref<8x2048xf32, #tpu.memory_space<vmem>>, vector<16xf32>,
        %parallel_loop3A_234 = arith.constant true
        %parallel_loop3A_235 = vector.broadcast %parallel_loop3A_234 : i1 to vector<16xi1>
        %parallel_loop3A_236 = tpu.scan <sum>, %parallel_loop3A_233 masked %parallel_loop3A_235 : vector<16xf32>, vector<16xi1> -> vector<16xf32>
        %parallel_loop3A_237 = arith.constant 3 : i32
        %parallel_loop3A_238 = arith.index_cast %parallel_loop3A_237 : i32 to index
        %parallel_loop3A_239 = arith.index_cast %parallel_loop3A_215 : i32 to index
        %parallel_loop3A_240 = tpu.vector_load %arg5[%parallel_loop3A_238, %parallel_loop3A_239] {strides = array<i32>} : memref<8x2048xf32, #tpu.memory_space<vmem>>, vector<16xf32>,
        %parallel_loop3A_241 = arith.constant true
        %parallel_loop3A_242 = vector.broadcast %parallel_loop3A_241 : i1 to vector<16xi1>
        %parallel_loop3A_243 = tpu.scan <sum>, %parallel_loop3A_240 masked %parallel_loop3A_242 : vector<16xf32>, vector<16xi1> -> vector<16xf32>
        %parallel_loop3A_244 = arith.constant 4 : i32
        %parallel_loop3A_245 = arith.index_cast %parallel_loop3A_244 : i32 to index
        %parallel_loop3A_246 = arith.index_cast %parallel_loop3A_215 : i32 to index
        %parallel_loop3A_247 = tpu.vector_load %arg5[%parallel_loop3A_245, %parallel_loop3A_246] {strides = array<i32>} : memref<8x2048xf32, #tpu.memory_space<vmem>>, vector<16xf32>,
        %parallel_loop3A_248 = arith.constant true
        %parallel_loop3A_249 = vector.broadcast %parallel_loop3A_248 : i1 to vector<16xi1>
        %parallel_loop3A_250 = tpu.scan <sum>, %parallel_loop3A_247 masked %parallel_loop3A_249 : vector<16xf32>, vector<16xi1> -> vector<16xf32>
        %parallel_loop3A_251 = arith.constant 5 : i32
        %parallel_loop3A_252 = arith.index_cast %parallel_loop3A_251 : i32 to index
        %parallel_loop3A_253 = arith.index_cast %parallel_loop3A_215 : i32 to index
        %parallel_loop3A_254 = tpu.vector_load %arg5[%parallel_loop3A_252, %parallel_loop3A_253] {strides = array<i32>} : memref<8x2048xf32, #tpu.memory_space<vmem>>, vector<16xf32>,
        %parallel_loop3A_255 = arith.constant true
        %parallel_loop3A_256 = vector.broadcast %parallel_loop3A_255 : i1 to vector<16xi1>
        %parallel_loop3A_257 = tpu.scan <sum>, %parallel_loop3A_254 masked %parallel_loop3A_256 : vector<16xf32>, vector<16xi1> -> vector<16xf32>
        %parallel_loop3A_258 = arith.constant 6 : i32
        %parallel_loop3A_259 = arith.index_cast %parallel_loop3A_258 : i32 to index
        %parallel_loop3A_260 = arith.index_cast %parallel_loop3A_215 : i32 to index
        %parallel_loop3A_261 = tpu.vector_load %arg5[%parallel_loop3A_259, %parallel_loop3A_260] {strides = array<i32>} : memref<8x2048xf32, #tpu.memory_space<vmem>>, vector<16xf32>,
        %parallel_loop3A_262 = arith.constant true
        %parallel_loop3A_263 = vector.broadcast %parallel_loop3A_262 : i1 to vector<16xi1>
        %parallel_loop3A_264 = tpu.scan <sum>, %parallel_loop3A_261 masked %parallel_loop3A_263 : vector<16xf32>, vector<16xi1> -> vector<16xf32>
        %parallel_loop3A_265 = arith.constant 7 : i32
        %parallel_loop3A_266 = arith.index_cast %parallel_loop3A_265 : i32 to index
        %parallel_loop3A_267 = arith.index_cast %parallel_loop3A_215 : i32 to index
        %parallel_loop3A_268 = tpu.vector_load %arg5[%parallel_loop3A_266, %parallel_loop3A_267] {strides = array<i32>} : memref<8x2048xf32, #tpu.memory_space<vmem>>, vector<16xf32>,
        %parallel_loop3A_269 = arith.constant true
        %parallel_loop3A_270 = vector.broadcast %parallel_loop3A_269 : i1 to vector<16xi1>
        %parallel_loop3A_271 = tpu.scan <sum>, %parallel_loop3A_268 masked %parallel_loop3A_270 : vector<16xf32>, vector<16xi1> -> vector<16xf32>
        %parallel_loop3A_272 = vector.broadcast %parallel_loop3A_206 : f32 to vector<16xf32>
        %parallel_loop3A_273 = arith.addf %parallel_loop3A_222, %parallel_loop3A_272 : vector<16xf32>
        %parallel_loop3A_274 = arith.constant 0 : i32
        %parallel_loop3A_275 = arith.index_cast %parallel_loop3A_274 : i32 to index
        %parallel_loop3A_276 = arith.index_cast %parallel_loop3A_215 : i32 to index
        %parallel_loop3A_277 = tpu.vector_load %arg9[%parallel_loop3A_275, %parallel_loop3A_276] {strides = array<i32>} : memref<8x2048xf32, #tpu.memory_space<vmem>>, vector<16xf32>,
        tpu.vector_store %arg9[%parallel_loop3A_275, %parallel_loop3A_276], %parallel_loop3A_273 {strides = array<i32>} : memref<8x2048xf32, #tpu.memory_space<vmem>>, vector<16xf32>,
        %parallel_loop3A_278 = vector.extract_strided_slice %parallel_loop3A_222 {offsets = [15], sizes = [1], strides = [1]} : vector<16xf32> to vector<1xf32>
        %parallel_loop3A_279 = vector.extract %parallel_loop3A_278[0] : f32 from vector<1xf32>
        %parallel_loop3A_280 = arith.addf %parallel_loop3A_206, %parallel_loop3A_279 : f32
        %parallel_loop3A_281 = vector.broadcast %parallel_loop3A_207 : f32 to vector<16xf32>
        %parallel_loop3A_282 = arith.addf %parallel_loop3A_229, %parallel_loop3A_281 : vector<16xf32>
        %parallel_loop3A_283 = arith.constant 1 : i32
        %parallel_loop3A_284 = arith.index_cast %parallel_loop3A_283 : i32 to index
        %parallel_loop3A_285 = arith.index_cast %parallel_loop3A_215 : i32 to index
        %parallel_loop3A_286 = tpu.vector_load %arg9[%parallel_loop3A_284, %parallel_loop3A_285] {strides = array<i32>} : memref<8x2048xf32, #tpu.memory_space<vmem>>, vector<16xf32>,
        tpu.vector_store %arg9[%parallel_loop3A_284, %parallel_loop3A_285], %parallel_loop3A_282 {strides = array<i32>} : memref<8x2048xf32, #tpu.memory_space<vmem>>, vector<16xf32>,
        %parallel_loop3A_287 = vector.extract_strided_slice %parallel_loop3A_229 {offsets = [15], sizes = [1], strides = [1]} : vector<16xf32> to vector<1xf32>
        %parallel_loop3A_288 = vector.extract %parallel_loop3A_287[0] : f32 from vector<1xf32>
        %parallel_loop3A_289 = arith.addf %parallel_loop3A_207, %parallel_loop3A_288 : f32
        %parallel_loop3A_290 = vector.broadcast %parallel_loop3A_208 : f32 to vector<16xf32>
        %parallel_loop3A_291 = arith.addf %parallel_loop3A_236, %parallel_loop3A_290 : vector<16xf32>
        %parallel_loop3A_292 = arith.constant 2 : i32
        %parallel_loop3A_293 = arith.index_cast %parallel_loop3A_292 : i32 to index
        %parallel_loop3A_294 = arith.index_cast %parallel_loop3A_215 : i32 to index
        %parallel_loop3A_295 = tpu.vector_load %arg9[%parallel_loop3A_293, %parallel_loop3A_294] {strides = array<i32>} : memref<8x2048xf32, #tpu.memory_space<vmem>>, vector<16xf32>,
        tpu.vector_store %arg9[%parallel_loop3A_293, %parallel_loop3A_294], %parallel_loop3A_291 {strides = array<i32>} : memref<8x2048xf32, #tpu.memory_space<vmem>>, vector<16xf32>,
        %parallel_loop3A_296 = vector.extract_strided_slice %parallel_loop3A_236 {offsets = [15], sizes = [1], strides = [1]} : vector<16xf32> to vector<1xf32>
        %parallel_loop3A_297 = vector.extract %parallel_loop3A_296[0] : f32 from vector<1xf32>
        %parallel_loop3A_298 = arith.addf %parallel_loop3A_208, %parallel_loop3A_297 : f32
        %parallel_loop3A_299 = vector.broadcast %parallel_loop3A_209 : f32 to vector<16xf32>
        %parallel_loop3A_300 = arith.addf %parallel_loop3A_243, %parallel_loop3A_299 : vector<16xf32>
        %parallel_loop3A_301 = arith.constant 3 : i32
        %parallel_loop3A_302 = arith.index_cast %parallel_loop3A_301 : i32 to index
        %parallel_loop3A_303 = arith.index_cast %parallel_loop3A_215 : i32 to index
        %parallel_loop3A_304 = tpu.vector_load %arg9[%parallel_loop3A_302, %parallel_loop3A_303] {strides = array<i32>} : memref<8x2048xf32, #tpu.memory_space<vmem>>, vector<16xf32>,
        tpu.vector_store %arg9[%parallel_loop3A_302, %parallel_loop3A_303], %parallel_loop3A_300 {strides = array<i32>} : memref<8x2048xf32, #tpu.memory_space<vmem>>, vector<16xf32>,
        %parallel_loop3A_305 = vector.extract_strided_slice %parallel_loop3A_243 {offsets = [15], sizes = [1], strides = [1]} : vector<16xf32> to vector<1xf32>
        %parallel_loop3A_306 = vector.extract %parallel_loop3A_305[0] : f32 from vector<1xf32>
        %parallel_loop3A_307 = arith.addf %parallel_loop3A_209, %parallel_loop3A_306 : f32
        %parallel_loop3A_308 = vector.broadcast %parallel_loop3A_210 : f32 to vector<16xf32>
        %parallel_loop3A_309 = arith.addf %parallel_loop3A_250, %parallel_loop3A_308 : vector<16xf32>
        %parallel_loop3A_310 = arith.constant 4 : i32
        %parallel_loop3A_311 = arith.index_cast %parallel_loop3A_310 : i32 to index
        %parallel_loop3A_312 = arith.index_cast %parallel_loop3A_215 : i32 to index
        %parallel_loop3A_313 = tpu.vector_load %arg9[%parallel_loop3A_311, %parallel_loop3A_312] {strides = array<i32>} : memref<8x2048xf32, #tpu.memory_space<vmem>>, vector<16xf32>,
        tpu.vector_store %arg9[%parallel_loop3A_311, %parallel_loop3A_312], %parallel_loop3A_309 {strides = array<i32>} : memref<8x2048xf32, #tpu.memory_space<vmem>>, vector<16xf32>,
        %parallel_loop3A_314 = vector.extract_strided_slice %parallel_loop3A_250 {offsets = [15], sizes = [1], strides = [1]} : vector<16xf32> to vector<1xf32>
        %parallel_loop3A_315 = vector.extract %parallel_loop3A_314[0] : f32 from vector<1xf32>
        %parallel_loop3A_316 = arith.addf %parallel_loop3A_210, %parallel_loop3A_315 : f32
        %parallel_loop3A_317 = vector.broadcast %parallel_loop3A_211 : f32 to vector<16xf32>
        %parallel_loop3A_318 = arith.addf %parallel_loop3A_257, %parallel_loop3A_317 : vector<16xf32>
        %parallel_loop3A_319 = arith.constant 5 : i32
        %parallel_loop3A_320 = arith.index_cast %parallel_loop3A_319 : i32 to index
        %parallel_loop3A_321 = arith.index_cast %parallel_loop3A_215 : i32 to index
        %parallel_loop3A_322 = tpu.vector_load %arg9[%parallel_loop3A_320, %parallel_loop3A_321] {strides = array<i32>} : memref<8x2048xf32, #tpu.memory_space<vmem>>, vector<16xf32>,
        tpu.vector_store %arg9[%parallel_loop3A_320, %parallel_loop3A_321], %parallel_loop3A_318 {strides = array<i32>} : memref<8x2048xf32, #tpu.memory_space<vmem>>, vector<16xf32>,
        %parallel_loop3A_323 = vector.extract_strided_slice %parallel_loop3A_257 {offsets = [15], sizes = [1], strides = [1]} : vector<16xf32> to vector<1xf32>
        %parallel_loop3A_324 = vector.extract %parallel_loop3A_323[0] : f32 from vector<1xf32>
        %parallel_loop3A_325 = arith.addf %parallel_loop3A_211, %parallel_loop3A_324 : f32
        %parallel_loop3A_326 = vector.broadcast %parallel_loop3A_212 : f32 to vector<16xf32>
        %parallel_loop3A_327 = arith.addf %parallel_loop3A_264, %parallel_loop3A_326 : vector<16xf32>
        %parallel_loop3A_328 = arith.constant 6 : i32
        %parallel_loop3A_329 = arith.index_cast %parallel_loop3A_328 : i32 to index
        %parallel_loop3A_330 = arith.index_cast %parallel_loop3A_215 : i32 to index
        %parallel_loop3A_331 = tpu.vector_load %arg9[%parallel_loop3A_329, %parallel_loop3A_330] {strides = array<i32>} : memref<8x2048xf32, #tpu.memory_space<vmem>>, vector<16xf32>,
        tpu.vector_store %arg9[%parallel_loop3A_329, %parallel_loop3A_330], %parallel_loop3A_327 {strides = array<i32>} : memref<8x2048xf32, #tpu.memory_space<vmem>>, vector<16xf32>,
        %parallel_loop3A_332 = vector.extract_strided_slice %parallel_loop3A_264 {offsets = [15], sizes = [1], strides = [1]} : vector<16xf32> to vector<1xf32>
        %parallel_loop3A_333 = vector.extract %parallel_loop3A_332[0] : f32 from vector<1xf32>
        %parallel_loop3A_334 = arith.addf %parallel_loop3A_212, %parallel_loop3A_333 : f32
        %parallel_loop3A_335 = vector.broadcast %parallel_loop3A_213 : f32 to vector<16xf32>
        %parallel_loop3A_336 = arith.addf %parallel_loop3A_271, %parallel_loop3A_335 : vector<16xf32>
        %parallel_loop3A_337 = arith.constant 7 : i32
        %parallel_loop3A_338 = arith.index_cast %parallel_loop3A_337 : i32 to index
        %parallel_loop3A_339 = arith.index_cast %parallel_loop3A_215 : i32 to index
        %parallel_loop3A_340 = tpu.vector_load %arg9[%parallel_loop3A_338, %parallel_loop3A_339] {strides = array<i32>} : memref<8x2048xf32, #tpu.memory_space<vmem>>, vector<16xf32>,
        tpu.vector_store %arg9[%parallel_loop3A_338, %parallel_loop3A_339], %parallel_loop3A_336 {strides = array<i32>} : memref<8x2048xf32, #tpu.memory_space<vmem>>, vector<16xf32>,
        %parallel_loop3A_341 = vector.extract_strided_slice %parallel_loop3A_271 {offsets = [15], sizes = [1], strides = [1]} : vector<16xf32> to vector<1xf32>
        %parallel_loop3A_342 = vector.extract %parallel_loop3A_341[0] : f32 from vector<1xf32>
        %parallel_loop3A_343 = arith.addf %parallel_loop3A_213, %parallel_loop3A_342 : f32
        scf.yield %parallel_loop3A_280, %parallel_loop3A_289, %parallel_loop3A_298, %parallel_loop3A_307, %parallel_loop3A_316, %parallel_loop3A_325, %parallel_loop3A_334, %parallel_loop3A_343 : f32, f32, f32, f32, f32, f32, f32, f32
      } {sc.loop_unroll_factor = 8 : i64, sc.parallel_access}
      %mul3A_106 = arith.constant 8 : i32
      %mul3A_107 = arith.muli %add3A_81, %mul3A_106 : i32
      %add3A_108 = arith.addi %mul3A_2, %mul3A_107 : i32
      %dma_start3A_109 = arith.constant 0 : i32
      %dma_start3A_110 = tpu.memref_slice %arg3[%add3A_108, %dma_start3A_109] : memref<8192x2048xf32, #tpu.memory_space<hbm>> -> memref<8x2048xf32, #tpu.memory_space<hbm>>
      %dma_start3A_111 = arith.constant 0 : i32
      %dma_start3A_112 = tpu.memref_slice %arg3[%add3A_108, %dma_start3A_111] : memref<8192x2048xf32, #tpu.memory_space<hbm>> -> memref<8x2048xf32, #tpu.memory_space<hbm>>
      tpu.enqueue_dma source(%arg9 : memref<8x2048xf32, #tpu.memory_space<vmem>>) target(%dma_start3A_112 : memref<8x2048xf32, #tpu.memory_space<hbm>>) target_semaphore(%arg15 : memref<!tpu.dma_semaphore, #tpu.memory_space<semaphore_mem>>)
      %lt3A_113 = arith.constant 7 : i32
      %lt3A_114 = arith.cmpi slt, %scan3A_42, %lt3A_113 : i32
      %convert_element_type3A_115 = arith.extui %lt3A_114 : i1 to i32
      %cond3A_116 = arith.constant 0 : i32
      %cond3A_117 = arith.cmpi ne, %convert_element_type3A_115, %cond3A_116 : i32
      scf.if %cond3A_117 {
        %add3A_205 = arith.constant 4 : i32
        %add3A_206 = arith.addi %add3A_81, %add3A_205 : i32
        %mul3A_207 = arith.constant 8 : i32
        %mul3A_208 = arith.muli %add3A_206, %mul3A_207 : i32
        %add3A_209 = arith.addi %mul3A_2, %mul3A_208 : i32
        %dma_start3A_210 = arith.constant 0 : i32
        %dma_start3A_211 = tpu.memref_slice %arg2[%add3A_209, %dma_start3A_210] : memref<8192x2048xf32, #tpu.memory_space<hbm>> -> memref<8x2048xf32, #tpu.memory_space<hbm>>
        %dma_start3A_212 = arith.constant 0 : i32
        %dma_start3A_213 = tpu.memref_slice %arg2[%add3A_209, %dma_start3A_212] : memref<8192x2048xf32, #tpu.memory_space<hbm>> -> memref<8x2048xf32, #tpu.memory_space<hbm>>
        tpu.enqueue_dma source(%dma_start3A_213 : memref<8x2048xf32, #tpu.memory_space<hbm>>) target(%arg5 : memref<8x2048xf32, #tpu.memory_space<vmem>>) target_semaphore(%arg11 : memref<!tpu.dma_semaphore, #tpu.memory_space<semaphore_mem>>)
      } else {
      }
      %mul3A_118 = arith.constant 4 : i32
      %mul3A_119 = arith.muli %mul3A_118, %scan3A_42 : i32
      %add3A_120 = arith.constant 2 : i32
      %add3A_121 = arith.addi %mul3A_119, %add3A_120 : i32
      %mul3A_122 = arith.constant 8 : i32
      %mul3A_123 = arith.muli %add3A_121, %mul3A_122 : i32
      %add3A_124 = arith.addi %mul3A_2, %mul3A_123 : i32
      %dma_wait3A_125 = arith.constant 0 : i32
      %dma_wait3A_126 = tpu.memref_slice %arg2[%add3A_124, %dma_wait3A_125] : memref<8192x2048xf32, #tpu.memory_space<hbm>> -> memref<8x2048xf32, #tpu.memory_space<hbm>>
      %dma_wait3A_127 = arith.constant 0 : i32
      %dma_wait3A_128 = tpu.memref_slice %arg2[%add3A_124, %dma_wait3A_127] : memref<8192x2048xf32, #tpu.memory_space<hbm>> -> memref<8x2048xf32, #tpu.memory_space<hbm>>
      tpu.wait_dma2 semaphore(%arg12 : memref<!tpu.dma_semaphore, #tpu.memory_space<semaphore_mem>>) src(%dma_wait3A_128 : memref<8x2048xf32, #tpu.memory_space<hbm>>) dst(%arg6 : memref<8x2048xf32, #tpu.memory_space<vmem>>)
      %sub3A = arith.constant 2 : i32
      %sub3A_129 = arith.subi %add3A_121, %sub3A : i32
      %mul3A_130 = arith.constant 8 : i32
      %mul3A_131 = arith.muli %sub3A_129, %mul3A_130 : i32
      %add3A_132 = arith.addi %mul3A_2, %mul3A_131 : i32
      %dma_wait3A_133 = arith.constant 0 : i32
      %dma_wait3A_134 = tpu.memref_slice %arg3[%add3A_132, %dma_wait3A_133] : memref<8192x2048xf32, #tpu.memory_space<hbm>> -> memref<8x2048xf32, #tpu.memory_space<hbm>>
      %dma_wait3A_135 = arith.constant 0 : i32
      %dma_wait3A_136 = tpu.memref_slice %arg3[%add3A_132, %dma_wait3A_135] : memref<8192x2048xf32, #tpu.memory_space<hbm>> -> memref<8x2048xf32, #tpu.memory_space<hbm>>
      tpu.wait_dma2 semaphore(%arg14 : memref<!tpu.dma_semaphore, #tpu.memory_space<semaphore_mem>>) src(%arg8 : memref<8x2048xf32, #tpu.memory_space<vmem>>) dst(%dma_wait3A_136 : memref<8x2048xf32, #tpu.memory_space<hbm>>)
      %parallel_loop3A_137 = arith.constant 0 : i32
      %parallel_loop3A_138 = arith.constant 128 : i32
      %parallel_loop3A_139 = arith.constant 1 : i32
      %parallel_loop3A_140 = arith.constant 0.000000e+00 : f32
      %parallel_loop3A_141 = arith.constant 0.000000e+00 : f32
      %parallel_loop3A_142 = arith.constant 0.000000e+00 : f32
      %parallel_loop3A_143 = arith.constant 0.000000e+00 : f32
      %parallel_loop3A_144 = arith.constant 0.000000e+00 : f32
      %parallel_loop3A_145 = arith.constant 0.000000e+00 : f32
      %parallel_loop3A_146 = arith.constant 0.000000e+00 : f32
      %parallel_loop3A_147 = arith.constant 0.000000e+00 : f32
      %parallel_loop3A_148:8 = scf.for %parallel_loop3A_205 = %parallel_loop3A_137 to %parallel_loop3A_138 step %parallel_loop3A_139 iter_args(%parallel_loop3A_206 = %parallel_loop3A_140, %parallel_loop3A_207 = %parallel_loop3A_141, %parallel_loop3A_208 = %parallel_loop3A_142, %parallel_loop3A_209 = %parallel_loop3A_143, %parallel_loop3A_210 = %parallel_loop3A_144, %parallel_loop3A_211 = %parallel_loop3A_145, %parallel_loop3A_212 = %parallel_loop3A_146, %parallel_loop3A_213 = %parallel_loop3A_147) -> (f32, f32, f32, f32, f32, f32, f32, f32)  : i32 {
        %parallel_loop3A_214 = arith.constant 16 : i32
        %parallel_loop3A_215 = arith.muli %parallel_loop3A_205, %parallel_loop3A_214 : i32
        %parallel_loop3A_216 = arith.constant 0 : i32
        %parallel_loop3A_217 = arith.index_cast %parallel_loop3A_216 : i32 to index
        %parallel_loop3A_218 = arith.index_cast %parallel_loop3A_215 : i32 to index
        %parallel_loop3A_219 = tpu.vector_load %arg6[%parallel_loop3A_217, %parallel_loop3A_218] {strides = array<i32>} : memref<8x2048xf32, #tpu.memory_space<vmem>>, vector<16xf32>,
        %parallel_loop3A_220 = arith.constant true
        %parallel_loop3A_221 = vector.broadcast %parallel_loop3A_220 : i1 to vector<16xi1>
        %parallel_loop3A_222 = tpu.scan <sum>, %parallel_loop3A_219 masked %parallel_loop3A_221 : vector<16xf32>, vector<16xi1> -> vector<16xf32>
        %parallel_loop3A_223 = arith.constant 1 : i32
        %parallel_loop3A_224 = arith.index_cast %parallel_loop3A_223 : i32 to index
        %parallel_loop3A_225 = arith.index_cast %parallel_loop3A_215 : i32 to index
        %parallel_loop3A_226 = tpu.vector_load %arg6[%parallel_loop3A_224, %parallel_loop3A_225] {strides = array<i32>} : memref<8x2048xf32, #tpu.memory_space<vmem>>, vector<16xf32>,
        %parallel_loop3A_227 = arith.constant true
        %parallel_loop3A_228 = vector.broadcast %parallel_loop3A_227 : i1 to vector<16xi1>
        %parallel_loop3A_229 = tpu.scan <sum>, %parallel_loop3A_226 masked %parallel_loop3A_228 : vector<16xf32>, vector<16xi1> -> vector<16xf32>
        %parallel_loop3A_230 = arith.constant 2 : i32
        %parallel_loop3A_231 = arith.index_cast %parallel_loop3A_230 : i32 to index
        %parallel_loop3A_232 = arith.index_cast %parallel_loop3A_215 : i32 to index
        %parallel_loop3A_233 = tpu.vector_load %arg6[%parallel_loop3A_231, %parallel_loop3A_232] {strides = array<i32>} : memref<8x2048xf32, #tpu.memory_space<vmem>>, vector<16xf32>,
        %parallel_loop3A_234 = arith.constant true
        %parallel_loop3A_235 = vector.broadcast %parallel_loop3A_234 : i1 to vector<16xi1>
        %parallel_loop3A_236 = tpu.scan <sum>, %parallel_loop3A_233 masked %parallel_loop3A_235 : vector<16xf32>, vector<16xi1> -> vector<16xf32>
        %parallel_loop3A_237 = arith.constant 3 : i32
        %parallel_loop3A_238 = arith.index_cast %parallel_loop3A_237 : i32 to index
        %parallel_loop3A_239 = arith.index_cast %parallel_loop3A_215 : i32 to index
        %parallel_loop3A_240 = tpu.vector_load %arg6[%parallel_loop3A_238, %parallel_loop3A_239] {strides = array<i32>} : memref<8x2048xf32, #tpu.memory_space<vmem>>, vector<16xf32>,
        %parallel_loop3A_241 = arith.constant true
        %parallel_loop3A_242 = vector.broadcast %parallel_loop3A_241 : i1 to vector<16xi1>
        %parallel_loop3A_243 = tpu.scan <sum>, %parallel_loop3A_240 masked %parallel_loop3A_242 : vector<16xf32>, vector<16xi1> -> vector<16xf32>
        %parallel_loop3A_244 = arith.constant 4 : i32
        %parallel_loop3A_245 = arith.index_cast %parallel_loop3A_244 : i32 to index
        %parallel_loop3A_246 = arith.index_cast %parallel_loop3A_215 : i32 to index
        %parallel_loop3A_247 = tpu.vector_load %arg6[%parallel_loop3A_245, %parallel_loop3A_246] {strides = array<i32>} : memref<8x2048xf32, #tpu.memory_space<vmem>>, vector<16xf32>,
        %parallel_loop3A_248 = arith.constant true
        %parallel_loop3A_249 = vector.broadcast %parallel_loop3A_248 : i1 to vector<16xi1>
        %parallel_loop3A_250 = tpu.scan <sum>, %parallel_loop3A_247 masked %parallel_loop3A_249 : vector<16xf32>, vector<16xi1> -> vector<16xf32>
        %parallel_loop3A_251 = arith.constant 5 : i32
        %parallel_loop3A_252 = arith.index_cast %parallel_loop3A_251 : i32 to index
        %parallel_loop3A_253 = arith.index_cast %parallel_loop3A_215 : i32 to index
        %parallel_loop3A_254 = tpu.vector_load %arg6[%parallel_loop3A_252, %parallel_loop3A_253] {strides = array<i32>} : memref<8x2048xf32, #tpu.memory_space<vmem>>, vector<16xf32>,
        %parallel_loop3A_255 = arith.constant true
        %parallel_loop3A_256 = vector.broadcast %parallel_loop3A_255 : i1 to vector<16xi1>
        %parallel_loop3A_257 = tpu.scan <sum>, %parallel_loop3A_254 masked %parallel_loop3A_256 : vector<16xf32>, vector<16xi1> -> vector<16xf32>
        %parallel_loop3A_258 = arith.constant 6 : i32
        %parallel_loop3A_259 = arith.index_cast %parallel_loop3A_258 : i32 to index
        %parallel_loop3A_260 = arith.index_cast %parallel_loop3A_215 : i32 to index
        %parallel_loop3A_261 = tpu.vector_load %arg6[%parallel_loop3A_259, %parallel_loop3A_260] {strides = array<i32>} : memref<8x2048xf32, #tpu.memory_space<vmem>>, vector<16xf32>,
        %parallel_loop3A_262 = arith.constant true
        %parallel_loop3A_263 = vector.broadcast %parallel_loop3A_262 : i1 to vector<16xi1>
        %parallel_loop3A_264 = tpu.scan <sum>, %parallel_loop3A_261 masked %parallel_loop3A_263 : vector<16xf32>, vector<16xi1> -> vector<16xf32>
        %parallel_loop3A_265 = arith.constant 7 : i32
        %parallel_loop3A_266 = arith.index_cast %parallel_loop3A_265 : i32 to index
        %parallel_loop3A_267 = arith.index_cast %parallel_loop3A_215 : i32 to index
        %parallel_loop3A_268 = tpu.vector_load %arg6[%parallel_loop3A_266, %parallel_loop3A_267] {strides = array<i32>} : memref<8x2048xf32, #tpu.memory_space<vmem>>, vector<16xf32>,
        %parallel_loop3A_269 = arith.constant true
        %parallel_loop3A_270 = vector.broadcast %parallel_loop3A_269 : i1 to vector<16xi1>
        %parallel_loop3A_271 = tpu.scan <sum>, %parallel_loop3A_268 masked %parallel_loop3A_270 : vector<16xf32>, vector<16xi1> -> vector<16xf32>
        %parallel_loop3A_272 = vector.broadcast %parallel_loop3A_206 : f32 to vector<16xf32>
        %parallel_loop3A_273 = arith.addf %parallel_loop3A_222, %parallel_loop3A_272 : vector<16xf32>
        %parallel_loop3A_274 = arith.constant 0 : i32
        %parallel_loop3A_275 = arith.index_cast %parallel_loop3A_274 : i32 to index
        %parallel_loop3A_276 = arith.index_cast %parallel_loop3A_215 : i32 to index
        %parallel_loop3A_277 = tpu.vector_load %arg8[%parallel_loop3A_275, %parallel_loop3A_276] {strides = array<i32>} : memref<8x2048xf32, #tpu.memory_space<vmem>>, vector<16xf32>,
        tpu.vector_store %arg8[%parallel_loop3A_275, %parallel_loop3A_276], %parallel_loop3A_273 {strides = array<i32>} : memref<8x2048xf32, #tpu.memory_space<vmem>>, vector<16xf32>,
        %parallel_loop3A_278 = vector.extract_strided_slice %parallel_loop3A_222 {offsets = [15], sizes = [1], strides = [1]} : vector<16xf32> to vector<1xf32>
        %parallel_loop3A_279 = vector.extract %parallel_loop3A_278[0] : f32 from vector<1xf32>
        %parallel_loop3A_280 = arith.addf %parallel_loop3A_206, %parallel_loop3A_279 : f32
        %parallel_loop3A_281 = vector.broadcast %parallel_loop3A_207 : f32 to vector<16xf32>
        %parallel_loop3A_282 = arith.addf %parallel_loop3A_229, %parallel_loop3A_281 : vector<16xf32>
        %parallel_loop3A_283 = arith.constant 1 : i32
        %parallel_loop3A_284 = arith.index_cast %parallel_loop3A_283 : i32 to index
        %parallel_loop3A_285 = arith.index_cast %parallel_loop3A_215 : i32 to index
        %parallel_loop3A_286 = tpu.vector_load %arg8[%parallel_loop3A_284, %parallel_loop3A_285] {strides = array<i32>} : memref<8x2048xf32, #tpu.memory_space<vmem>>, vector<16xf32>,
        tpu.vector_store %arg8[%parallel_loop3A_284, %parallel_loop3A_285], %parallel_loop3A_282 {strides = array<i32>} : memref<8x2048xf32, #tpu.memory_space<vmem>>, vector<16xf32>,
        %parallel_loop3A_287 = vector.extract_strided_slice %parallel_loop3A_229 {offsets = [15], sizes = [1], strides = [1]} : vector<16xf32> to vector<1xf32>
        %parallel_loop3A_288 = vector.extract %parallel_loop3A_287[0] : f32 from vector<1xf32>
        %parallel_loop3A_289 = arith.addf %parallel_loop3A_207, %parallel_loop3A_288 : f32
        %parallel_loop3A_290 = vector.broadcast %parallel_loop3A_208 : f32 to vector<16xf32>
        %parallel_loop3A_291 = arith.addf %parallel_loop3A_236, %parallel_loop3A_290 : vector<16xf32>
        %parallel_loop3A_292 = arith.constant 2 : i32
        %parallel_loop3A_293 = arith.index_cast %parallel_loop3A_292 : i32 to index
        %parallel_loop3A_294 = arith.index_cast %parallel_loop3A_215 : i32 to index
        %parallel_loop3A_295 = tpu.vector_load %arg8[%parallel_loop3A_293, %parallel_loop3A_294] {strides = array<i32>} : memref<8x2048xf32, #tpu.memory_space<vmem>>, vector<16xf32>,
        tpu.vector_store %arg8[%parallel_loop3A_293, %parallel_loop3A_294], %parallel_loop3A_291 {strides = array<i32>} : memref<8x2048xf32, #tpu.memory_space<vmem>>, vector<16xf32>,
        %parallel_loop3A_296 = vector.extract_strided_slice %parallel_loop3A_236 {offsets = [15], sizes = [1], strides = [1]} : vector<16xf32> to vector<1xf32>
        %parallel_loop3A_297 = vector.extract %parallel_loop3A_296[0] : f32 from vector<1xf32>
        %parallel_loop3A_298 = arith.addf %parallel_loop3A_208, %parallel_loop3A_297 : f32
        %parallel_loop3A_299 = vector.broadcast %parallel_loop3A_209 : f32 to vector<16xf32>
        %parallel_loop3A_300 = arith.addf %parallel_loop3A_243, %parallel_loop3A_299 : vector<16xf32>
        %parallel_loop3A_301 = arith.constant 3 : i32
        %parallel_loop3A_302 = arith.index_cast %parallel_loop3A_301 : i32 to index
        %parallel_loop3A_303 = arith.index_cast %parallel_loop3A_215 : i32 to index
        %parallel_loop3A_304 = tpu.vector_load %arg8[%parallel_loop3A_302, %parallel_loop3A_303] {strides = array<i32>} : memref<8x2048xf32, #tpu.memory_space<vmem>>, vector<16xf32>,
        tpu.vector_store %arg8[%parallel_loop3A_302, %parallel_loop3A_303], %parallel_loop3A_300 {strides = array<i32>} : memref<8x2048xf32, #tpu.memory_space<vmem>>, vector<16xf32>,
        %parallel_loop3A_305 = vector.extract_strided_slice %parallel_loop3A_243 {offsets = [15], sizes = [1], strides = [1]} : vector<16xf32> to vector<1xf32>
        %parallel_loop3A_306 = vector.extract %parallel_loop3A_305[0] : f32 from vector<1xf32>
        %parallel_loop3A_307 = arith.addf %parallel_loop3A_209, %parallel_loop3A_306 : f32
        %parallel_loop3A_308 = vector.broadcast %parallel_loop3A_210 : f32 to vector<16xf32>
        %parallel_loop3A_309 = arith.addf %parallel_loop3A_250, %parallel_loop3A_308 : vector<16xf32>
        %parallel_loop3A_310 = arith.constant 4 : i32
        %parallel_loop3A_311 = arith.index_cast %parallel_loop3A_310 : i32 to index
        %parallel_loop3A_312 = arith.index_cast %parallel_loop3A_215 : i32 to index
        %parallel_loop3A_313 = tpu.vector_load %arg8[%parallel_loop3A_311, %parallel_loop3A_312] {strides = array<i32>} : memref<8x2048xf32, #tpu.memory_space<vmem>>, vector<16xf32>,
        tpu.vector_store %arg8[%parallel_loop3A_311, %parallel_loop3A_312], %parallel_loop3A_309 {strides = array<i32>} : memref<8x2048xf32, #tpu.memory_space<vmem>>, vector<16xf32>,
        %parallel_loop3A_314 = vector.extract_strided_slice %parallel_loop3A_250 {offsets = [15], sizes = [1], strides = [1]} : vector<16xf32> to vector<1xf32>
        %parallel_loop3A_315 = vector.extract %parallel_loop3A_314[0] : f32 from vector<1xf32>
        %parallel_loop3A_316 = arith.addf %parallel_loop3A_210, %parallel_loop3A_315 : f32
        %parallel_loop3A_317 = vector.broadcast %parallel_loop3A_211 : f32 to vector<16xf32>
        %parallel_loop3A_318 = arith.addf %parallel_loop3A_257, %parallel_loop3A_317 : vector<16xf32>
        %parallel_loop3A_319 = arith.constant 5 : i32
        %parallel_loop3A_320 = arith.index_cast %parallel_loop3A_319 : i32 to index
        %parallel_loop3A_321 = arith.index_cast %parallel_loop3A_215 : i32 to index
        %parallel_loop3A_322 = tpu.vector_load %arg8[%parallel_loop3A_320, %parallel_loop3A_321] {strides = array<i32>} : memref<8x2048xf32, #tpu.memory_space<vmem>>, vector<16xf32>,
        tpu.vector_store %arg8[%parallel_loop3A_320, %parallel_loop3A_321], %parallel_loop3A_318 {strides = array<i32>} : memref<8x2048xf32, #tpu.memory_space<vmem>>, vector<16xf32>,
        %parallel_loop3A_323 = vector.extract_strided_slice %parallel_loop3A_257 {offsets = [15], sizes = [1], strides = [1]} : vector<16xf32> to vector<1xf32>
        %parallel_loop3A_324 = vector.extract %parallel_loop3A_323[0] : f32 from vector<1xf32>
        %parallel_loop3A_325 = arith.addf %parallel_loop3A_211, %parallel_loop3A_324 : f32
        %parallel_loop3A_326 = vector.broadcast %parallel_loop3A_212 : f32 to vector<16xf32>
        %parallel_loop3A_327 = arith.addf %parallel_loop3A_264, %parallel_loop3A_326 : vector<16xf32>
        %parallel_loop3A_328 = arith.constant 6 : i32
        %parallel_loop3A_329 = arith.index_cast %parallel_loop3A_328 : i32 to index
        %parallel_loop3A_330 = arith.index_cast %parallel_loop3A_215 : i32 to index
        %parallel_loop3A_331 = tpu.vector_load %arg8[%parallel_loop3A_329, %parallel_loop3A_330] {strides = array<i32>} : memref<8x2048xf32, #tpu.memory_space<vmem>>, vector<16xf32>,
        tpu.vector_store %arg8[%parallel_loop3A_329, %parallel_loop3A_330], %parallel_loop3A_327 {strides = array<i32>} : memref<8x2048xf32, #tpu.memory_space<vmem>>, vector<16xf32>,
        %parallel_loop3A_332 = vector.extract_strided_slice %parallel_loop3A_264 {offsets = [15], sizes = [1], strides = [1]} : vector<16xf32> to vector<1xf32>
        %parallel_loop3A_333 = vector.extract %parallel_loop3A_332[0] : f32 from vector<1xf32>
        %parallel_loop3A_334 = arith.addf %parallel_loop3A_212, %parallel_loop3A_333 : f32
        %parallel_loop3A_335 = vector.broadcast %parallel_loop3A_213 : f32 to vector<16xf32>
        %parallel_loop3A_336 = arith.addf %parallel_loop3A_271, %parallel_loop3A_335 : vector<16xf32>
        %parallel_loop3A_337 = arith.constant 7 : i32
        %parallel_loop3A_338 = arith.index_cast %parallel_loop3A_337 : i32 to index
        %parallel_loop3A_339 = arith.index_cast %parallel_loop3A_215 : i32 to index
        %parallel_loop3A_340 = tpu.vector_load %arg8[%parallel_loop3A_338, %parallel_loop3A_339] {strides = array<i32>} : memref<8x2048xf32, #tpu.memory_space<vmem>>, vector<16xf32>,
        tpu.vector_store %arg8[%parallel_loop3A_338, %parallel_loop3A_339], %parallel_loop3A_336 {strides = array<i32>} : memref<8x2048xf32, #tpu.memory_space<vmem>>, vector<16xf32>,
        %parallel_loop3A_341 = vector.extract_strided_slice %parallel_loop3A_271 {offsets = [15], sizes = [1], strides = [1]} : vector<16xf32> to vector<1xf32>
        %parallel_loop3A_342 = vector.extract %parallel_loop3A_341[0] : f32 from vector<1xf32>
        %parallel_loop3A_343 = arith.addf %parallel_loop3A_213, %parallel_loop3A_342 : f32
        scf.yield %parallel_loop3A_280, %parallel_loop3A_289, %parallel_loop3A_298, %parallel_loop3A_307, %parallel_loop3A_316, %parallel_loop3A_325, %parallel_loop3A_334, %parallel_loop3A_343 : f32, f32, f32, f32, f32, f32, f32, f32
      } {sc.loop_unroll_factor = 8 : i64, sc.parallel_access}
      %mul3A_149 = arith.constant 8 : i32
      %mul3A_150 = arith.muli %add3A_121, %mul3A_149 : i32
      %add3A_151 = arith.addi %mul3A_2, %mul3A_150 : i32
      %dma_start3A_152 = arith.constant 0 : i32
      %dma_start3A_153 = tpu.memref_slice %arg3[%add3A_151, %dma_start3A_152] : memref<8192x2048xf32, #tpu.memory_space<hbm>> -> memref<8x2048xf32, #tpu.memory_space<hbm>>
      %dma_start3A_154 = arith.constant 0 : i32
      %dma_start3A_155 = tpu.memref_slice %arg3[%add3A_151, %dma_start3A_154] : memref<8192x2048xf32, #tpu.memory_space<hbm>> -> memref<8x2048xf32, #tpu.memory_space<hbm>>
      tpu.enqueue_dma source(%arg8 : memref<8x2048xf32, #tpu.memory_space<vmem>>) target(%dma_start3A_155 : memref<8x2048xf32, #tpu.memory_space<hbm>>) target_semaphore(%arg14 : memref<!tpu.dma_semaphore, #tpu.memory_space<semaphore_mem>>)
      %lt3A_156 = arith.constant 7 : i32
      %lt3A_157 = arith.cmpi slt, %scan3A_42, %lt3A_156 : i32
      %convert_element_type3A_158 = arith.extui %lt3A_157 : i1 to i32
      %cond3A_159 = arith.constant 0 : i32
      %cond3A_160 = arith.cmpi ne, %convert_element_type3A_158, %cond3A_159 : i32
      scf.if %cond3A_160 {
        %add3A_205 = arith.constant 4 : i32
        %add3A_206 = arith.addi %add3A_121, %add3A_205 : i32
        %mul3A_207 = arith.constant 8 : i32
        %mul3A_208 = arith.muli %add3A_206, %mul3A_207 : i32
        %add3A_209 = arith.addi %mul3A_2, %mul3A_208 : i32
        %dma_start3A_210 = arith.constant 0 : i32
        %dma_start3A_211 = tpu.memref_slice %arg2[%add3A_209, %dma_start3A_210] : memref<8192x2048xf32, #tpu.memory_space<hbm>> -> memref<8x2048xf32, #tpu.memory_space<hbm>>
        %dma_start3A_212 = arith.constant 0 : i32
        %dma_start3A_213 = tpu.memref_slice %arg2[%add3A_209, %dma_start3A_212] : memref<8192x2048xf32, #tpu.memory_space<hbm>> -> memref<8x2048xf32, #tpu.memory_space<hbm>>
        tpu.enqueue_dma source(%dma_start3A_213 : memref<8x2048xf32, #tpu.memory_space<hbm>>) target(%arg6 : memref<8x2048xf32, #tpu.memory_space<vmem>>) target_semaphore(%arg12 : memref<!tpu.dma_semaphore, #tpu.memory_space<semaphore_mem>>)
      } else {
      }
      %mul3A_161 = arith.constant 4 : i32
      %mul3A_162 = arith.muli %mul3A_161, %scan3A_42 : i32
      %add3A_163 = arith.constant 3 : i32
      %add3A_164 = arith.addi %mul3A_162, %add3A_163 : i32
      %mul3A_165 = arith.constant 8 : i32
      %mul3A_166 = arith.muli %add3A_164, %mul3A_165 : i32
      %add3A_167 = arith.addi %mul3A_2, %mul3A_166 : i32
      %dma_wait3A_168 = arith.constant 0 : i32
      %dma_wait3A_169 = tpu.memref_slice %arg2[%add3A_167, %dma_wait3A_168] : memref<8192x2048xf32, #tpu.memory_space<hbm>> -> memref<8x2048xf32, #tpu.memory_space<hbm>>
      %dma_wait3A_170 = arith.constant 0 : i32
      %dma_wait3A_171 = tpu.memref_slice %arg2[%add3A_167, %dma_wait3A_170] : memref<8192x2048xf32, #tpu.memory_space<hbm>> -> memref<8x2048xf32, #tpu.memory_space<hbm>>
      tpu.wait_dma2 semaphore(%arg13 : memref<!tpu.dma_semaphore, #tpu.memory_space<semaphore_mem>>) src(%dma_wait3A_171 : memref<8x2048xf32, #tpu.memory_space<hbm>>) dst(%arg7 : memref<8x2048xf32, #tpu.memory_space<vmem>>)
      %sub3A_172 = arith.constant 2 : i32
      %sub3A_173 = arith.subi %add3A_164, %sub3A_172 : i32
      %mul3A_174 = arith.constant 8 : i32
      %mul3A_175 = arith.muli %sub3A_173, %mul3A_174 : i32
      %add3A_176 = arith.addi %mul3A_2, %mul3A_175 : i32
      %dma_wait3A_177 = arith.constant 0 : i32
      %dma_wait3A_178 = tpu.memref_slice %arg3[%add3A_176, %dma_wait3A_177] : memref<8192x2048xf32, #tpu.memory_space<hbm>> -> memref<8x2048xf32, #tpu.memory_space<hbm>>
      %dma_wait3A_179 = arith.constant 0 : i32
      %dma_wait3A_180 = tpu.memref_slice %arg3[%add3A_176, %dma_wait3A_179] : memref<8192x2048xf32, #tpu.memory_space<hbm>> -> memref<8x2048xf32, #tpu.memory_space<hbm>>
      tpu.wait_dma2 semaphore(%arg15 : memref<!tpu.dma_semaphore, #tpu.memory_space<semaphore_mem>>) src(%arg9 : memref<8x2048xf32, #tpu.memory_space<vmem>>) dst(%dma_wait3A_180 : memref<8x2048xf32, #tpu.memory_space<hbm>>)
      %parallel_loop3A_181 = arith.constant 0 : i32
      %parallel_loop3A_182 = arith.constant 128 : i32
      %parallel_loop3A_183 = arith.constant 1 : i32
      %parallel_loop3A_184 = arith.constant 0.000000e+00 : f32
      %parallel_loop3A_185 = arith.constant 0.000000e+00 : f32
      %parallel_loop3A_186 = arith.constant 0.000000e+00 : f32
      %parallel_loop3A_187 = arith.constant 0.000000e+00 : f32
      %parallel_loop3A_188 = arith.constant 0.000000e+00 : f32
      %parallel_loop3A_189 = arith.constant 0.000000e+00 : f32
      %parallel_loop3A_190 = arith.constant 0.000000e+00 : f32
      %parallel_loop3A_191 = arith.constant 0.000000e+00 : f32
      %parallel_loop3A_192:8 = scf.for %parallel_loop3A_205 = %parallel_loop3A_181 to %parallel_loop3A_182 step %parallel_loop3A_183 iter_args(%parallel_loop3A_206 = %parallel_loop3A_184, %parallel_loop3A_207 = %parallel_loop3A_185, %parallel_loop3A_208 = %parallel_loop3A_186, %parallel_loop3A_209 = %parallel_loop3A_187, %parallel_loop3A_210 = %parallel_loop3A_188, %parallel_loop3A_211 = %parallel_loop3A_189, %parallel_loop3A_212 = %parallel_loop3A_190, %parallel_loop3A_213 = %parallel_loop3A_191) -> (f32, f32, f32, f32, f32, f32, f32, f32)  : i32 {
        %parallel_loop3A_214 = arith.constant 16 : i32
        %parallel_loop3A_215 = arith.muli %parallel_loop3A_205, %parallel_loop3A_214 : i32
        %parallel_loop3A_216 = arith.constant 0 : i32
        %parallel_loop3A_217 = arith.index_cast %parallel_loop3A_216 : i32 to index
        %parallel_loop3A_218 = arith.index_cast %parallel_loop3A_215 : i32 to index
        %parallel_loop3A_219 = tpu.vector_load %arg7[%parallel_loop3A_217, %parallel_loop3A_218] {strides = array<i32>} : memref<8x2048xf32, #tpu.memory_space<vmem>>, vector<16xf32>,
        %parallel_loop3A_220 = arith.constant true
        %parallel_loop3A_221 = vector.broadcast %parallel_loop3A_220 : i1 to vector<16xi1>
        %parallel_loop3A_222 = tpu.scan <sum>, %parallel_loop3A_219 masked %parallel_loop3A_221 : vector<16xf32>, vector<16xi1> -> vector<16xf32>
        %parallel_loop3A_223 = arith.constant 1 : i32
        %parallel_loop3A_224 = arith.index_cast %parallel_loop3A_223 : i32 to index
        %parallel_loop3A_225 = arith.index_cast %parallel_loop3A_215 : i32 to index
        %parallel_loop3A_226 = tpu.vector_load %arg7[%parallel_loop3A_224, %parallel_loop3A_225] {strides = array<i32>} : memref<8x2048xf32, #tpu.memory_space<vmem>>, vector<16xf32>,
        %parallel_loop3A_227 = arith.constant true
        %parallel_loop3A_228 = vector.broadcast %parallel_loop3A_227 : i1 to vector<16xi1>
        %parallel_loop3A_229 = tpu.scan <sum>, %parallel_loop3A_226 masked %parallel_loop3A_228 : vector<16xf32>, vector<16xi1> -> vector<16xf32>
        %parallel_loop3A_230 = arith.constant 2 : i32
        %parallel_loop3A_231 = arith.index_cast %parallel_loop3A_230 : i32 to index
        %parallel_loop3A_232 = arith.index_cast %parallel_loop3A_215 : i32 to index
        %parallel_loop3A_233 = tpu.vector_load %arg7[%parallel_loop3A_231, %parallel_loop3A_232] {strides = array<i32>} : memref<8x2048xf32, #tpu.memory_space<vmem>>, vector<16xf32>,
        %parallel_loop3A_234 = arith.constant true
        %parallel_loop3A_235 = vector.broadcast %parallel_loop3A_234 : i1 to vector<16xi1>
        %parallel_loop3A_236 = tpu.scan <sum>, %parallel_loop3A_233 masked %parallel_loop3A_235 : vector<16xf32>, vector<16xi1> -> vector<16xf32>
        %parallel_loop3A_237 = arith.constant 3 : i32
        %parallel_loop3A_238 = arith.index_cast %parallel_loop3A_237 : i32 to index
        %parallel_loop3A_239 = arith.index_cast %parallel_loop3A_215 : i32 to index
        %parallel_loop3A_240 = tpu.vector_load %arg7[%parallel_loop3A_238, %parallel_loop3A_239] {strides = array<i32>} : memref<8x2048xf32, #tpu.memory_space<vmem>>, vector<16xf32>,
        %parallel_loop3A_241 = arith.constant true
        %parallel_loop3A_242 = vector.broadcast %parallel_loop3A_241 : i1 to vector<16xi1>
        %parallel_loop3A_243 = tpu.scan <sum>, %parallel_loop3A_240 masked %parallel_loop3A_242 : vector<16xf32>, vector<16xi1> -> vector<16xf32>
        %parallel_loop3A_244 = arith.constant 4 : i32
        %parallel_loop3A_245 = arith.index_cast %parallel_loop3A_244 : i32 to index
        %parallel_loop3A_246 = arith.index_cast %parallel_loop3A_215 : i32 to index
        %parallel_loop3A_247 = tpu.vector_load %arg7[%parallel_loop3A_245, %parallel_loop3A_246] {strides = array<i32>} : memref<8x2048xf32, #tpu.memory_space<vmem>>, vector<16xf32>,
        %parallel_loop3A_248 = arith.constant true
        %parallel_loop3A_249 = vector.broadcast %parallel_loop3A_248 : i1 to vector<16xi1>
        %parallel_loop3A_250 = tpu.scan <sum>, %parallel_loop3A_247 masked %parallel_loop3A_249 : vector<16xf32>, vector<16xi1> -> vector<16xf32>
        %parallel_loop3A_251 = arith.constant 5 : i32
        %parallel_loop3A_252 = arith.index_cast %parallel_loop3A_251 : i32 to index
        %parallel_loop3A_253 = arith.index_cast %parallel_loop3A_215 : i32 to index
        %parallel_loop3A_254 = tpu.vector_load %arg7[%parallel_loop3A_252, %parallel_loop3A_253] {strides = array<i32>} : memref<8x2048xf32, #tpu.memory_space<vmem>>, vector<16xf32>,
        %parallel_loop3A_255 = arith.constant true
        %parallel_loop3A_256 = vector.broadcast %parallel_loop3A_255 : i1 to vector<16xi1>
        %parallel_loop3A_257 = tpu.scan <sum>, %parallel_loop3A_254 masked %parallel_loop3A_256 : vector<16xf32>, vector<16xi1> -> vector<16xf32>
        %parallel_loop3A_258 = arith.constant 6 : i32
        %parallel_loop3A_259 = arith.index_cast %parallel_loop3A_258 : i32 to index
        %parallel_loop3A_260 = arith.index_cast %parallel_loop3A_215 : i32 to index
        %parallel_loop3A_261 = tpu.vector_load %arg7[%parallel_loop3A_259, %parallel_loop3A_260] {strides = array<i32>} : memref<8x2048xf32, #tpu.memory_space<vmem>>, vector<16xf32>,
        %parallel_loop3A_262 = arith.constant true
        %parallel_loop3A_263 = vector.broadcast %parallel_loop3A_262 : i1 to vector<16xi1>
        %parallel_loop3A_264 = tpu.scan <sum>, %parallel_loop3A_261 masked %parallel_loop3A_263 : vector<16xf32>, vector<16xi1> -> vector<16xf32>
        %parallel_loop3A_265 = arith.constant 7 : i32
        %parallel_loop3A_266 = arith.index_cast %parallel_loop3A_265 : i32 to index
        %parallel_loop3A_267 = arith.index_cast %parallel_loop3A_215 : i32 to index
        %parallel_loop3A_268 = tpu.vector_load %arg7[%parallel_loop3A_266, %parallel_loop3A_267] {strides = array<i32>} : memref<8x2048xf32, #tpu.memory_space<vmem>>, vector<16xf32>,
        %parallel_loop3A_269 = arith.constant true
        %parallel_loop3A_270 = vector.broadcast %parallel_loop3A_269 : i1 to vector<16xi1>
        %parallel_loop3A_271 = tpu.scan <sum>, %parallel_loop3A_268 masked %parallel_loop3A_270 : vector<16xf32>, vector<16xi1> -> vector<16xf32>
        %parallel_loop3A_272 = vector.broadcast %parallel_loop3A_206 : f32 to vector<16xf32>
        %parallel_loop3A_273 = arith.addf %parallel_loop3A_222, %parallel_loop3A_272 : vector<16xf32>
        %parallel_loop3A_274 = arith.constant 0 : i32
        %parallel_loop3A_275 = arith.index_cast %parallel_loop3A_274 : i32 to index
        %parallel_loop3A_276 = arith.index_cast %parallel_loop3A_215 : i32 to index
        %parallel_loop3A_277 = tpu.vector_load %arg9[%parallel_loop3A_275, %parallel_loop3A_276] {strides = array<i32>} : memref<8x2048xf32, #tpu.memory_space<vmem>>, vector<16xf32>,
        tpu.vector_store %arg9[%parallel_loop3A_275, %parallel_loop3A_276], %parallel_loop3A_273 {strides = array<i32>} : memref<8x2048xf32, #tpu.memory_space<vmem>>, vector<16xf32>,
        %parallel_loop3A_278 = vector.extract_strided_slice %parallel_loop3A_222 {offsets = [15], sizes = [1], strides = [1]} : vector<16xf32> to vector<1xf32>
        %parallel_loop3A_279 = vector.extract %parallel_loop3A_278[0] : f32 from vector<1xf32>
        %parallel_loop3A_280 = arith.addf %parallel_loop3A_206, %parallel_loop3A_279 : f32
        %parallel_loop3A_281 = vector.broadcast %parallel_loop3A_207 : f32 to vector<16xf32>
        %parallel_loop3A_282 = arith.addf %parallel_loop3A_229, %parallel_loop3A_281 : vector<16xf32>
        %parallel_loop3A_283 = arith.constant 1 : i32
        %parallel_loop3A_284 = arith.index_cast %parallel_loop3A_283 : i32 to index
        %parallel_loop3A_285 = arith.index_cast %parallel_loop3A_215 : i32 to index
        %parallel_loop3A_286 = tpu.vector_load %arg9[%parallel_loop3A_284, %parallel_loop3A_285] {strides = array<i32>} : memref<8x2048xf32, #tpu.memory_space<vmem>>, vector<16xf32>,
        tpu.vector_store %arg9[%parallel_loop3A_284, %parallel_loop3A_285], %parallel_loop3A_282 {strides = array<i32>} : memref<8x2048xf32, #tpu.memory_space<vmem>>, vector<16xf32>,
        %parallel_loop3A_287 = vector.extract_strided_slice %parallel_loop3A_229 {offsets = [15], sizes = [1], strides = [1]} : vector<16xf32> to vector<1xf32>
        %parallel_loop3A_288 = vector.extract %parallel_loop3A_287[0] : f32 from vector<1xf32>
        %parallel_loop3A_289 = arith.addf %parallel_loop3A_207, %parallel_loop3A_288 : f32
        %parallel_loop3A_290 = vector.broadcast %parallel_loop3A_208 : f32 to vector<16xf32>
        %parallel_loop3A_291 = arith.addf %parallel_loop3A_236, %parallel_loop3A_290 : vector<16xf32>
        %parallel_loop3A_292 = arith.constant 2 : i32
        %parallel_loop3A_293 = arith.index_cast %parallel_loop3A_292 : i32 to index
        %parallel_loop3A_294 = arith.index_cast %parallel_loop3A_215 : i32 to index
        %parallel_loop3A_295 = tpu.vector_load %arg9[%parallel_loop3A_293, %parallel_loop3A_294] {strides = array<i32>} : memref<8x2048xf32, #tpu.memory_space<vmem>>, vector<16xf32>,
        tpu.vector_store %arg9[%parallel_loop3A_293, %parallel_loop3A_294], %parallel_loop3A_291 {strides = array<i32>} : memref<8x2048xf32, #tpu.memory_space<vmem>>, vector<16xf32>,
        %parallel_loop3A_296 = vector.extract_strided_slice %parallel_loop3A_236 {offsets = [15], sizes = [1], strides = [1]} : vector<16xf32> to vector<1xf32>
        %parallel_loop3A_297 = vector.extract %parallel_loop3A_296[0] : f32 from vector<1xf32>
        %parallel_loop3A_298 = arith.addf %parallel_loop3A_208, %parallel_loop3A_297 : f32
        %parallel_loop3A_299 = vector.broadcast %parallel_loop3A_209 : f32 to vector<16xf32>
        %parallel_loop3A_300 = arith.addf %parallel_loop3A_243, %parallel_loop3A_299 : vector<16xf32>
        %parallel_loop3A_301 = arith.constant 3 : i32
        %parallel_loop3A_302 = arith.index_cast %parallel_loop3A_301 : i32 to index
        %parallel_loop3A_303 = arith.index_cast %parallel_loop3A_215 : i32 to index
        %parallel_loop3A_304 = tpu.vector_load %arg9[%parallel_loop3A_302, %parallel_loop3A_303] {strides = array<i32>} : memref<8x2048xf32, #tpu.memory_space<vmem>>, vector<16xf32>,
        tpu.vector_store %arg9[%parallel_loop3A_302, %parallel_loop3A_303], %parallel_loop3A_300 {strides = array<i32>} : memref<8x2048xf32, #tpu.memory_space<vmem>>, vector<16xf32>,
        %parallel_loop3A_305 = vector.extract_strided_slice %parallel_loop3A_243 {offsets = [15], sizes = [1], strides = [1]} : vector<16xf32> to vector<1xf32>
        %parallel_loop3A_306 = vector.extract %parallel_loop3A_305[0] : f32 from vector<1xf32>
        %parallel_loop3A_307 = arith.addf %parallel_loop3A_209, %parallel_loop3A_306 : f32
        %parallel_loop3A_308 = vector.broadcast %parallel_loop3A_210 : f32 to vector<16xf32>
        %parallel_loop3A_309 = arith.addf %parallel_loop3A_250, %parallel_loop3A_308 : vector<16xf32>
        %parallel_loop3A_310 = arith.constant 4 : i32
        %parallel_loop3A_311 = arith.index_cast %parallel_loop3A_310 : i32 to index
        %parallel_loop3A_312 = arith.index_cast %parallel_loop3A_215 : i32 to index
        %parallel_loop3A_313 = tpu.vector_load %arg9[%parallel_loop3A_311, %parallel_loop3A_312] {strides = array<i32>} : memref<8x2048xf32, #tpu.memory_space<vmem>>, vector<16xf32>,
        tpu.vector_store %arg9[%parallel_loop3A_311, %parallel_loop3A_312], %parallel_loop3A_309 {strides = array<i32>} : memref<8x2048xf32, #tpu.memory_space<vmem>>, vector<16xf32>,
        %parallel_loop3A_314 = vector.extract_strided_slice %parallel_loop3A_250 {offsets = [15], sizes = [1], strides = [1]} : vector<16xf32> to vector<1xf32>
        %parallel_loop3A_315 = vector.extract %parallel_loop3A_314[0] : f32 from vector<1xf32>
        %parallel_loop3A_316 = arith.addf %parallel_loop3A_210, %parallel_loop3A_315 : f32
        %parallel_loop3A_317 = vector.broadcast %parallel_loop3A_211 : f32 to vector<16xf32>
        %parallel_loop3A_318 = arith.addf %parallel_loop3A_257, %parallel_loop3A_317 : vector<16xf32>
        %parallel_loop3A_319 = arith.constant 5 : i32
        %parallel_loop3A_320 = arith.index_cast %parallel_loop3A_319 : i32 to index
        %parallel_loop3A_321 = arith.index_cast %parallel_loop3A_215 : i32 to index
        %parallel_loop3A_322 = tpu.vector_load %arg9[%parallel_loop3A_320, %parallel_loop3A_321] {strides = array<i32>} : memref<8x2048xf32, #tpu.memory_space<vmem>>, vector<16xf32>,
        tpu.vector_store %arg9[%parallel_loop3A_320, %parallel_loop3A_321], %parallel_loop3A_318 {strides = array<i32>} : memref<8x2048xf32, #tpu.memory_space<vmem>>, vector<16xf32>,
        %parallel_loop3A_323 = vector.extract_strided_slice %parallel_loop3A_257 {offsets = [15], sizes = [1], strides = [1]} : vector<16xf32> to vector<1xf32>
        %parallel_loop3A_324 = vector.extract %parallel_loop3A_323[0] : f32 from vector<1xf32>
        %parallel_loop3A_325 = arith.addf %parallel_loop3A_211, %parallel_loop3A_324 : f32
        %parallel_loop3A_326 = vector.broadcast %parallel_loop3A_212 : f32 to vector<16xf32>
        %parallel_loop3A_327 = arith.addf %parallel_loop3A_264, %parallel_loop3A_326 : vector<16xf32>
        %parallel_loop3A_328 = arith.constant 6 : i32
        %parallel_loop3A_329 = arith.index_cast %parallel_loop3A_328 : i32 to index
        %parallel_loop3A_330 = arith.index_cast %parallel_loop3A_215 : i32 to index
        %parallel_loop3A_331 = tpu.vector_load %arg9[%parallel_loop3A_329, %parallel_loop3A_330] {strides = array<i32>} : memref<8x2048xf32, #tpu.memory_space<vmem>>, vector<16xf32>,
        tpu.vector_store %arg9[%parallel_loop3A_329, %parallel_loop3A_330], %parallel_loop3A_327 {strides = array<i32>} : memref<8x2048xf32, #tpu.memory_space<vmem>>, vector<16xf32>,
        %parallel_loop3A_332 = vector.extract_strided_slice %parallel_loop3A_264 {offsets = [15], sizes = [1], strides = [1]} : vector<16xf32> to vector<1xf32>
        %parallel_loop3A_333 = vector.extract %parallel_loop3A_332[0] : f32 from vector<1xf32>
        %parallel_loop3A_334 = arith.addf %parallel_loop3A_212, %parallel_loop3A_333 : f32
        %parallel_loop3A_335 = vector.broadcast %parallel_loop3A_213 : f32 to vector<16xf32>
        %parallel_loop3A_336 = arith.addf %parallel_loop3A_271, %parallel_loop3A_335 : vector<16xf32>
        %parallel_loop3A_337 = arith.constant 7 : i32
        %parallel_loop3A_338 = arith.index_cast %parallel_loop3A_337 : i32 to index
        %parallel_loop3A_339 = arith.index_cast %parallel_loop3A_215 : i32 to index
        %parallel_loop3A_340 = tpu.vector_load %arg9[%parallel_loop3A_338, %parallel_loop3A_339] {strides = array<i32>} : memref<8x2048xf32, #tpu.memory_space<vmem>>, vector<16xf32>,
        tpu.vector_store %arg9[%parallel_loop3A_338, %parallel_loop3A_339], %parallel_loop3A_336 {strides = array<i32>} : memref<8x2048xf32, #tpu.memory_space<vmem>>, vector<16xf32>,
        %parallel_loop3A_341 = vector.extract_strided_slice %parallel_loop3A_271 {offsets = [15], sizes = [1], strides = [1]} : vector<16xf32> to vector<1xf32>
        %parallel_loop3A_342 = vector.extract %parallel_loop3A_341[0] : f32 from vector<1xf32>
        %parallel_loop3A_343 = arith.addf %parallel_loop3A_213, %parallel_loop3A_342 : f32
        scf.yield %parallel_loop3A_280, %parallel_loop3A_289, %parallel_loop3A_298, %parallel_loop3A_307, %parallel_loop3A_316, %parallel_loop3A_325, %parallel_loop3A_334, %parallel_loop3A_343 : f32, f32, f32, f32, f32, f32, f32, f32
      } {sc.loop_unroll_factor = 8 : i64, sc.parallel_access}
      %mul3A_193 = arith.constant 8 : i32
      %mul3A_194 = arith.muli %add3A_164, %mul3A_193 : i32
      %add3A_195 = arith.addi %mul3A_2, %mul3A_194 : i32
      %dma_start3A_196 = arith.constant 0 : i32
      %dma_start3A_197 = tpu.memref_slice %arg3[%add3A_195, %dma_start3A_196] : memref<8192x2048xf32, #tpu.memory_space<hbm>> -> memref<8x2048xf32, #tpu.memory_space<hbm>>
      %dma_start3A_198 = arith.constant 0 : i32
      %dma_start3A_199 = tpu.memref_slice %arg3[%add3A_195, %dma_start3A_198] : memref<8192x2048xf32, #tpu.memory_space<hbm>> -> memref<8x2048xf32, #tpu.memory_space<hbm>>
      tpu.enqueue_dma source(%arg9 : memref<8x2048xf32, #tpu.memory_space<vmem>>) target(%dma_start3A_199 : memref<8x2048xf32, #tpu.memory_space<hbm>>) target_semaphore(%arg15 : memref<!tpu.dma_semaphore, #tpu.memory_space<semaphore_mem>>)
      %lt3A_200 = arith.constant 7 : i32
      %lt3A_201 = arith.cmpi slt, %scan3A_42, %lt3A_200 : i32
      %convert_element_type3A_202 = arith.extui %lt3A_201 : i1 to i32
      %cond3A_203 = arith.constant 0 : i32
      %cond3A_204 = arith.cmpi ne, %convert_element_type3A_202, %cond3A_203 : i32
      scf.if %cond3A_204 {
        %add3A_205 = arith.constant 4 : i32
        %add3A_206 = arith.addi %add3A_164, %add3A_205 : i32
        %mul3A_207 = arith.constant 8 : i32
        %mul3A_208 = arith.muli %add3A_206, %mul3A_207 : i32
        %add3A_209 = arith.addi %mul3A_2, %mul3A_208 : i32
        %dma_start3A_210 = arith.constant 0 : i32
        %dma_start3A_211 = tpu.memref_slice %arg2[%add3A_209, %dma_start3A_210] : memref<8192x2048xf32, #tpu.memory_space<hbm>> -> memref<8x2048xf32, #tpu.memory_space<hbm>>
        %dma_start3A_212 = arith.constant 0 : i32
        %dma_start3A_213 = tpu.memref_slice %arg2[%add3A_209, %dma_start3A_212] : memref<8192x2048xf32, #tpu.memory_space<hbm>> -> memref<8x2048xf32, #tpu.memory_space<hbm>>
        tpu.enqueue_dma source(%dma_start3A_213 : memref<8x2048xf32, #tpu.memory_space<hbm>>) target(%arg7 : memref<8x2048xf32, #tpu.memory_space<vmem>>) target_semaphore(%arg13 : memref<!tpu.dma_semaphore, #tpu.memory_space<semaphore_mem>>)
      } else {
      }
    }
    %scan3A_30 = arith.constant 8 : i32
    %add3A_31 = arith.constant 240 : i32
    %add3A_32 = arith.addi %mul3A_2, %add3A_31 : i32
    %dma_wait3A = arith.constant 0 : i32
    %dma_wait3A_33 = tpu.memref_slice %arg3[%add3A_32, %dma_wait3A] : memref<8192x2048xf32, #tpu.memory_space<hbm>> -> memref<8x2048xf32, #tpu.memory_space<hbm>>
    %dma_wait3A_34 = arith.constant 0 : i32
    %dma_wait3A_35 = tpu.memref_slice %arg3[%add3A_32, %dma_wait3A_34] : memref<8192x2048xf32, #tpu.memory_space<hbm>> -> memref<8x2048xf32, #tpu.memory_space<hbm>>
    tpu.wait_dma2 semaphore(%arg14 : memref<!tpu.dma_semaphore, #tpu.memory_space<semaphore_mem>>) src(%arg8 : memref<8x2048xf32, #tpu.memory_space<vmem>>) dst(%dma_wait3A_35 : memref<8x2048xf32, #tpu.memory_space<hbm>>)
    %add3A_36 = arith.constant 248 : i32
    %add3A_37 = arith.addi %mul3A_2, %add3A_36 : i32
    %dma_wait3A_38 = arith.constant 0 : i32
    %dma_wait3A_39 = tpu.memref_slice %arg3[%add3A_37, %dma_wait3A_38] : memref<8192x2048xf32, #tpu.memory_space<hbm>> -> memref<8x2048xf32, #tpu.memory_space<hbm>>
    %dma_wait3A_40 = arith.constant 0 : i32
    %dma_wait3A_41 = tpu.memref_slice %arg3[%add3A_37, %dma_wait3A_40] : memref<8192x2048xf32, #tpu.memory_space<hbm>> -> memref<8x2048xf32, #tpu.memory_space<hbm>>
    tpu.wait_dma2 semaphore(%arg15 : memref<!tpu.dma_semaphore, #tpu.memory_space<semaphore_mem>>) src(%arg9 : memref<8x2048xf32, #tpu.memory_space<vmem>>) dst(%dma_wait3A_41 : memref<8x2048xf32, #tpu.memory_space<hbm>>)
    return
  }
}

</mosaic_0001>

<sc_bundles>
// kernel: kernel.3.cloned.1.call-start
scs
__scs_entry_jumppad:
0x0: {  	(pc) =	sbr.rel $0x88, $3  }
0x1: {  	(tag) =	ssettag $0x0;
	lr =	simm.s32 $0x1  }
0x2: {  	[smem:$0x3FA0] =	sst lr;
	_ =	strace $0xD0000000  }
0x3: {  	_ = 	snop  }
0x4: {  	_ = 	snop  }
0x5: {  	_ = 	snop  }
0x6: {  	_ = 	snop  }
0x7: {  	_ = 	snop  }
__scs_overlays_trampoline_lowered:
0x8: {  	[smem:$0x3FAF] =	sst s0  }
0x9: {  	[smem:$0x3FB0] =	sst s1  }
0xa: {  	[smem:$0x3FB1] =	sst s2  }
0xb: {  	[smem:$0x3FB2] =	sst s3  }
0xc: {  	[smem:$0x3FB3] =	sst s4  }
0xd: {  	[smem:$0x3FB4] =	sst s5  }
0xe: {  	[smem:$0x3FB5] =	sst s6  }
0xf: {  	[smem:$0x3FB6] =	sst s7  }
0x10: {  	[smem:$0x3FB7] =	sst s8  }
0x11: {  	[smem:$0x3FB8] =	sst s9;
	s0 =	simm.s32 @!p0 $0x0  }
0x12: {  	s1 =	sld [smem:$0x3F9E];
	s0 =	simm.s32 @p0 $0x1  }
0x13: {  	[smem:$0x3FB9] =	sst s0;
	s0 =	simm.s32 @!p1 $0x0  }
0x14: {  	s2 =	sld [smem:$0x3F9D];
	s0 =	simm.s32 @p1 $0x1  }
0x15: {  	[smem:$0x3FBA] =	sst s0;
	s0 =	simm.s32 @!p2 $0x0  }
0x16: {  	s3 =	sld [smem:$0x3FDB];
	s0 =	simm.s32 @p2 $0x1  }
0x17: {  	s4 =	simm.s32 $0x1BF5;
	[smem:$0x3FBC] =	sst s0  }
0x18: {  	s0 =	sld [smem:$0x3F9F];
	_ =	swait.ge [sflag:s4], $0x0  }
0x19: {  	s7 =	sld [smem:$0x3FA0]  }
0x1a: {  	s8 =	sadd.s32 $0xFFFFE003, lr  }
0x1b: {  	s9 =	sadd.s32 $0xFFFFFEF7, lr;
	s5 =	simm.s32 $0xFFFFFFFF;
	p2 =	slt.u32 s8, $0xFFFFF086  }
0x1c: {  	p1 =	slt.u32 s9, $0xF7A;
	s5 =	simm.s32 @!p2 $0x0  }
0x1d: {  	s5 =	simm.s32 @p1 $0x1;
	p0 =	seq.s32 s7, s2  }
0x1e: {  	s7 =	smul.u32 @!p0 $0xF7A, s2;
	p2 =	seq.s32 @!p0 s5, $0x0  }
0x1f: {  	s9 =	smul.u32 $0xF7A, s1;
	s8 =	simm.s32 @!p0 $0x1BF5;
	p2 =	por !p2, p0  }
0x20: {  	[sflag:s8] =	ssyncset.s32 @!p0 $0xFFFFF086;
	s6 =	sadd.s32 @!p0 s3, s7;
	s7 =	simm.s32 @!p0 $0x108  }
0x21: {  	s3 =	sadd.s32 s3, s9;
	s6 =	sadd.s32 @!p0 $0x88, s6;
	s7 =	simm.s32 @p2 $0x1082  }
0x22: {  	[simem:s7], [sflag:s8] =	dma.local @!p0 [hbm:s6], $0xF7A  }
0x23: {  	s9 =	sor.u32 $0xD0000000, s2;
	s6 =	simm.s32 $0x108;
	_ =	swait.ge @!p0 [sflag:s8], $0x0  }
0x24: {  	s3 =	sadd.s32 $0x88, s3;
	s6 =	simm.s32 @!p1 $0x1082;
	[sflag:s4] =	ssyncset.s32 $0xFFFFF086  }
0x25: {  	[simem:s6], [sflag:s4] =	dma.local [hbm:s3], $0xF7A  }
0x26: {  	[smem:$0x3FA0] =	sst s1;
	(tag) =	ssettag s2;
	_ =	strace s9  }
0x27: {  	s1 =	sld [smem:$0x3FB0]  }
0x28: {  	s2 =	sld [smem:$0x3FB1]  }
0x29: {  	s4 =	sld [smem:$0x3FB3]  }
0x2a: {  	p0 =	seq.s32 s5, $0x0;
	s5 =	sld [smem:$0x3FB4]  }
0x2b: {  	s6 =	sld [smem:$0x3FB5]  }
0x2c: {  	s7 =	sld [smem:$0x3FB6]  }
0x2d: {  	s3 =	simm.s32 $0x108;
	s8 =	sld [smem:$0x3FB7]  }
0x2e: {  	s3 =	simm.s32 @!p0 $0x1082;
	s9 =	sld [smem:$0x3FB8]  }
0x2f: {  	lr =	sadd.s32 s0, s3;
	s0 =	sld [smem:$0x3FAF]  }
0x30: {  	s3 =	sld [smem:$0x3FB2]  }
0x31: {  	[smem:$0x3FBB] =	sst s10  }
0x32: {  	s10 =	sld [smem:$0x3FB9];
	_ =	sdelay $0x3  }
0x33: {  	p0 =	seq.s32 s10, $0x1;
	s10 =	sld [smem:$0x3FBB];
	_ =	sdelay $0x3  }
0x34: {  	[smem:$0x3FBB] =	sst s10  }
0x35: {  	s10 =	sld [smem:$0x3FBA];
	_ =	sdelay $0x3  }
0x36: {  	p1 =	seq.s32 s10, $0x1;
	s10 =	sld [smem:$0x3FBB];
	_ =	sdelay $0x3  }
0x37: {  	[smem:$0x3FBB] =	sst s10  }
0x38: {  	s10 =	sld [smem:$0x3FBC]  }
0x39: {  	_ = 	snop;
	(pc) =	sbr.ind lr, $3  }
0x3a: {  	_ = 	snop  }
0x3b: {  	_ = 	snop  }
0x3c: {  	p2 =	seq.s32 s10, $0x1;
	s10 =	sld [smem:$0x3FBB]  }
0x3d: {  	_ =	shalt  }
0x3e: {  	_ =	shalt  }
0x3f: {  	_ =	shalt  }
0x40: {  	_ =	shalt  }
0x41: {  	_ =	shalt  }
0x42: {  	_ =	shalt  }
0x43: {  	_ =	shalt  }
0x44: {  	_ =	shalt  }
0x45: {  	_ =	shalt  }
0x46: {  	_ =	shalt  }
0x47: {  	_ =	shalt  }
0x48: {  	_ =	shalt  }
0x49: {  	_ =	shalt  }
0x4a: {  	_ =	shalt  }
0x4b: {  	_ =	shalt  }
0x4c: {  	_ =	shalt  }
0x4d: {  	_ =	shalt  }
0x4e: {  	_ =	shalt  }
0x4f: {  	_ =	shalt  }
0x50: {  	_ =	shalt  }
0x51: {  	_ =	shalt  }
0x52: {  	_ =	shalt  }
0x53: {  	_ =	shalt  }
0x54: {  	_ =	shalt  }
0x55: {  	_ =	shalt  }
0x56: {  	_ =	shalt  }
0x57: {  	_ =	shalt  }
0x58: {  	_ =	shalt  }
0x59: {  	_ =	shalt  }
0x5a: {  	_ =	shalt  }
0x5b: {  	_ =	shalt  }
0x5c: {  	_ =	shalt  }
0x5d: {  	_ =	shalt  }
0x5e: {  	_ =	shalt  }
0x5f: {  	_ =	shalt  }
0x60: {  	_ =	shalt  }
0x61: {  	_ =	shalt  }
0x62: {  	_ =	shalt  }
0x63: {  	_ =	shalt  }
0x64: {  	_ =	shalt  }
0x65: {  	_ =	shalt  }
0x66: {  	_ =	shalt  }
0x67: {  	_ =	shalt  }
0x68: {  	_ =	shalt  }
0x69: {  	_ =	shalt  }
0x6a: {  	_ =	shalt  }
0x6b: {  	_ =	shalt  }
0x6c: {  	_ =	shalt  }
0x6d: {  	_ =	shalt  }
0x6e: {  	_ =	shalt  }
0x6f: {  	_ =	shalt  }
0x70: {  	_ =	shalt  }
0x71: {  	_ =	shalt  }
0x72: {  	_ =	shalt  }
0x73: {  	_ =	shalt  }
0x74: {  	_ =	shalt  }
0x75: {  	_ =	shalt  }
0x76: {  	_ =	shalt  }
0x77: {  	_ =	shalt  }
0x78: {  	_ =	shalt  }
0x79: {  	_ =	shalt  }
0x7a: {  	_ =	shalt  }
0x7b: {  	_ =	shalt  }
0x7c: {  	_ =	shalt  }
0x7d: {  	_ =	shalt  }
0x7e: {  	_ =	shalt  }
0x7f: {  	_ =	shalt  }
0x80: {  	_ =	shalt  }
0x81: {  	_ =	shalt  }
0x82: {  	_ =	shalt  }
0x83: {  	_ =	shalt  }
0x84: {  	_ =	shalt  }
0x85: {  	_ =	shalt  }
0x86: {  	_ =	shalt  }
0x87: {  	_ =	shalt  }
.Lfunc_end0:
.L_simem_size_0:
called_computation_lowered:
.L_overlay_start_0:
0x88: {  	s2 =	sld [smem:$0x3FD9]  }
0x89: {  	s3 =	sld [smem:$0x3FFE];
	_ =	sdelay $0x1  }
0x8a: {  	s1 =	srdreg.scid  }
0x8b: {  	s0 =	sand.u32 $0x1, s1  }
0x8c: {  	s18 =	sshll.u32 s0, $0xA;
	s2 =	sadd.s32 s3, s2  }
0x8d: {  	s2 =	sadd.s32 s2, s18  }
0x8e: {  	[smem:$0x3FC7] =	sst s2  }
0x8f: {  	_ = 	snop  }
0x90: {  	s2 =	sld [smem:$0x3FC9]  }
0x91: {  	s19 =	sld [smem:$0x3FD0];
	(tm) =	ssettm $0x1  }
0x92: {  	s4 =	sld [smem:$0x3FFB];
	_ =	sdelay $0x3  }
0x93: {  	_ =	strace s4  }
0x94: {  	s4 =	sld [smem:$0x3FFC];
	_ =	sdelay $0x3  }
0x95: {  	_ =	strace s4  }
0x96: {  	s4 =	sld [smem:$0x3FFD];
	_ =	sdelay $0x3  }
0x97: {  	_ =	strace s4  }
0x98: {  	_ =	strace $0x8FFFFFFF  }
0x99: {  	s20 =	sld [smem:$0x3FDB];
	_ =	sdelay $0x1  }
0x9a: {  	s5 =	simm.s32 $_scs_section_size  }
0x9b: {  	s6 =	simm.s32 $_size__tile_overlayer_lowered;
	s7 =	simm.s32 $_tile_overlayer_lowered  }
0x9c: {  	s23 =	simm.s32 $0x1BFF;
	s22 =	sshll.u32 s7, $0x1;
	s4 =	sadd.s32 s5, s20  }
0x9d: {  	s8 =	simm.s32 $0x0;
	s21 =	sshll.u32 s6, $0x1;
	s6 =	sadd.s32 s22, s4  }
0x9e: {  	[timem:s8], [sflag:s23] =	dma.local [hbm:s6], s21  }
0x9f: {  	_ =	swait.ge [sflag:s23], s21  }
0xa0: {  	s5 =	ssub.s32 $0x0, s21;
	[sflag:s23] =	ssyncset.done $0x0  }
0xa1: {  	[sflag:s23] =	ssyncadd.s32 s5;
	_ =	sdelay $0x1  }
0xa2: {  	s24 =	simm.s32 $0x1B8B  }
0xa3: {  	_ =	swait.ge [sflag:s24], $0x1  }
0xa4: {  	[sflag:s24] =	ssyncset.done $0x0  }
0xa5: {  	s25 =	simm.s32 $0x1B8E;
	[sflag:s24] =	ssyncadd.s32 $0xFFFFFFFF  }
0xa6: {  	s26 =	simm.s32 $execute0_lowered;
	[smem:$0x3FD2] =	sst s25  }
0xa7: {  	s5 =	sshll.u32 s26, $0x1;
	_ =	strace $0x80000046;
	[dreg:$0x1] =	wrdreg $0xFFFFFFFF  }
0xa8: {  	s28 =	simm.s32 $_size_execute0_lowered;
	s4 =	sadd.s32 s4, s5;
	[dreg:$0x0] =	wrdreg $0x0  }
0xa9: {  	s5 =	sshll.u32 s28, $0x1;
	[dreg:$0x2] =	wrdreg s4  }
0xaa: {  	[dreg:$0x3] =	wrdreg s5  }
0xab: {  	[dreg:$0x4] =	wrdreg $0xC0  }
0xac: {  	_ =	task [dreg:s8], $0x5FFFF  }
0xad: {  	[dreg:$0x1] =	wrdreg $0xFFFFFFFF  }
0xae: {  	[dreg:$0x0] =	wrdreg $0x60  }
0xaf: {  	[dreg:$0x2] =	wrdreg s2  }
0xb0: {  	[dreg:$0x3] =	wrdreg s19  }
0xb1: {  	[dreg:$0x4] =	wrdreg $0x9  }
0xb2: {  	_ =	task.clear_ibuf [dreg:s8], $0x5FFFF;
	_ =	strace $0x90000046  }
0xb3: {  	s29 =	simm.s32 $0x9;
	_ =	strace $0x80000048  }
0xb4: {  	_ =	swait.ge [sflag:s29], $0x1  }
0xb5: {  	[sflag:s29] =	ssyncadd.s32 $0xFFFFFFFF  }
0xb6: {  	_ =	strace $0x90000048  }
0xb7: {  	_ =	sfence  }
0xb8: {  	s30 =	sld [smem:$0x0];
	_ =	sdelay $0x2  }
0xb9: {  	s31 =	sshll.u32 s1, $0xD;
	s1 =	sshrl.u32 s1, $0x2  }
0xba: {  	s3 =	sand.u32 $0x4000, s31;
	s1 =	sadd.s32 s1, s30  }
0xbb: {  	s0 =	sor.u32 s3, s0;
	s1 =	sshll.u32 s1, $0x11  }
0xbc: {  	s0 =	sor.u32 s1, s0  }
0xbd: {  	s0 =	sadd.s32 $0x8F2B, s0  }
0xbe: {  	[sflag:s0] =	ssyncadd.remote.s32 $0x1  }
0xbf: {  	_ =	sfence.sel $0xFFFF  }
0xc0: {  	[dreg:$0x0] =	wrdreg $0xFFFFFFFF;
	(pc) =	sbr.abs _section_cstart, $3  }
0xc1: {  	[dreg:$0x1] =	wrdreg $0xFFFFFFFF  }
0xc2: {  	_ =	task.clear_ibuf [dreg:s8], $0x2FFFF;
	_ =	strace $0x9FFFFFFF  }
0xc3: {  	(tm) =	ssettm $0x7FFFFFFF  }
tec
execute0_lowered:
.L_overlay_start_1:
0x0: {  	(tag) =	ssettag $0x1  }
0x1: {  	s2 =	rddreg [dreg:$0x0];
	s0 =	srdreg.scid  }
0x2: {  	s5 =	rddreg [dreg:$0x1];
	s1 =	stileid.u32  }
0x3: {  	s4 =	simm.s32 $0x0;
	s19 =	simm.s32 $0x1;
	s20 =	simm.s32 $0x10000  }
0x4: {  	s21 =	simm.s32 $0x2;
	s22 =	simm.s32 $0x14000;
	s0 =	sand.u32 $0x1, s0  }
0x5: {  	s23 =	simm.s32 $0x3;
	s1 =	sshll.u32 s1, $0x9;
	s3 =	sshll.u32 s0, $0x8  }
0x6: {  	[smem:$0x7FF] =	sst s4;
	s11 =	smov.u32 s5;
	s6 =	sor.u32 s3, s1  }
0x7: {  	s0 =	ssub.s32 $0x2, s0;
	_ =	strace $0x80000047;
	s29 =	sor.u32 $0x20, s6  }
0x8: {  	s24 =	sshrl.u32 s0, $0x1;
	s30 =	sor.u32 $0x28, s6;
	[dreg:$0x8] =	wrdreg s29  }
0x9: {  	s3 =	sshll.u32 s6, $0x8;
	s31 =	sor.u32 $0x38, s6;
	[dreg:$0x9] =	wrdreg s30  }
0xa: {  	s0 =	ssub.s32 s0, s24;
	s25 =	sadd.s32 s2, s3;
	[dreg:$0xa] =	wrdreg s31  }
0xb: {  	s13 =	sor.u32 $0x30, s6;
	s28 =	sadd.s32 s5, s3;
	[dreg:$0x3] =	wrdreg s25  }
.Ltmp0:
0xc: {  	s0 =	smax.u32 s0, $0x1;
	[dreg:$0x7] =	wrdreg s28;
	(pc) =	sbr.rel .LBB2_1-.Ltmp0, $4  }
0xd: {  	s12 =	smov.u32 s6;
	s7 =	sadd.s32 $0x800, s25;
	[dreg:$0xb] =	wrdreg s0  }
0xe: {  	s24 =	simm.s32 $0x5;
	s26 =	sadd.s32 $0x1000, s25;
	[dreg:$0x4] =	wrdreg s7  }
0xf: {  	s1 =	sadd.s32 $0x1800, s25;
	s25 =	simm.s32 $0x4;
	[dreg:$0x5] =	wrdreg s26  }
0x10: {  	[dreg:$0x6] =	wrdreg s1;
	s26 =	simm.s32 $0x6;
	s1 =	simm.s32 $0x0  }
.LBB2_12:
0x11: {  	_ =	swait.ge [sflag:s24], $0x4000  }
0x12: {  	[sflag:s24] =	ssyncset.done $0x0  }
0x13: {  	[sflag:s24] =	ssyncadd.s32 $0xFFFFC000  }
0x14: {  	_ =	swait.ge [sflag:s26], $0x4000  }
0x15: {  	s1 =	rddreg [dreg:$0xc]  }
0x16: {  	s0 =	rddreg [dreg:$0xb];
	s1 =	sadd.s32 $0x1, s1  }
0x17: {  	p0 =	sne.s32 s1, s0  }
.Ltmp1:
0x18: {  	_ = 	snop;
	(pc) =	sbr.rel @!p0 .LBB2_13-.Ltmp1, $3  }
0x19: {  	_ =	sdelay $0x1  }
0x1a: {  	[sflag:s26] =	ssyncset.done $0x0  }
0x1b: {  	[sflag:s26] =	ssyncadd.s32 $0xFFFFC000  }
.LBB2_1:
0x1c: {  	[dreg:$0xc] =	wrdreg s1  }
0x1d: {  	s0 =	rddreg [dreg:$0x3]  }
0x1e: {  	[tilespmem:s4], [sflag:$0x1] =	stream.linear.gather [hbm4b:s0+s4], $0x4000, $0x38;
	[tilespmem:$0x18000] =	vst v63  }
0x1f: {  	s16 =	rddreg [dreg:$0x4];
	s17 =	simm.s32 $0x4000  }
0x20: {  	[tilespmem:s17], [sflag:$0x2] =	stream.linear.gather [hbm4b:s16+s4], $0x4000, $0x38;
	[tilespmem:$0x18000] =	vst v63  }
0x21: {  	s18 =	rddreg [dreg:$0x5];
	s28 =	simm.s32 $0x8000  }
0x22: {  	[tilespmem:s28], [sflag:$0x3] =	stream.linear.gather [hbm4b:s18+s4], $0x4000, $0x38;
	[tilespmem:$0x18000] =	vst v63  }
0x23: {  	s30 =	rddreg [dreg:$0x6];
	s31 =	simm.s32 $0xC000;
	s29 =	simm.s32 $0x0  }
0x24: {  	[tilespmem:s31], [sflag:$0x4] =	stream.linear.gather [hbm4b:s30+s4], $0x4000, $0x38;
	[tilespmem:$0x18000] =	vst v63  }
.LBB2_2:
0x25: {  	_ =	swait.ge [sflag:s19], $0x4000;
	p1 =	seq.s32 s29, $0x0  }
0x26: {  	s30 =	sshll.u32 s29, $0x5;
	s17 =	simm.f32 $0.0e+00;
	s1 =	simm.s32 $0x200  }
0x27: {  	s16 =	simm.s32 $0x10200;
	s7 =	simm.f32 $0.0e+00;
	[sflag:s19] =	ssyncset.done $0x0  }
0x28: {  	s8 =	simm.f32 $0.0e+00;
	s0 =	simm.s32 @!p1 $0x5;
	[sflag:s19] =	ssyncadd.s32 $0xFFFFC000  }
0x29: {  	s9 =	simm.f32 $0.0e+00;
	s15 =	simm.f32 $0.0e+00;
	_ =	swait.ge @!p1 [sflag:s0], $0x4000  }
0x2a: {  	s6 =	simm.f32 $0.0e+00;
	s28 =	simm.f32 $0.0e+00;
	[sflag:s0] =	ssyncset.done @!p1 $0x0  }
0x2b: {  	s18 =	simm.f32 $0.0e+00;
	[sflag:s0] =	ssyncadd.s32 @!p1 $0xFFFFC000;
	s0 =	simm.s32 $0xFFFFFFF8  }
.LBB2_3:
0x2c: {  	v0 =	vld [tilespmem:s1+$0xFFFFFE00]  }
0x2d: {  	v1 =	vld [tilespmem:s1+$0xFFFFFE80]  }
0x2e: {  	v2 =	vld [tilespmem:s1+$0xFFFFFF00]  }
0x2f: {  	v3 =	vld [tilespmem:s1+$0xFFFFFF80]  }
0x30: {  	v4 =	vld [tilespmem:s1+$0x0]  }
0x31: {  	v24 =	vld [tilespmem:s1+$0x80];
	(xrf2) =	vadd.scan.msk.f32 $0xffff, v0  }
0x32: {  	v25 =	vld [tilespmem:s1+$0x100];
	(xrf2) =	vadd.scan.msk.f32 $0xffff, v1  }
0x33: {  	v26 =	vld [tilespmem:s1+$0x180];
	(xrf2) =	vadd.scan.msk.f32 $0xffff, v2  }
0x34: {  	v27 =	vld [tilespmem:s1+$0xFFFFFE10];
	(xrf2) =	vadd.scan.msk.f32 $0xffff, v3  }
0x35: {  	v28 =	vld [tilespmem:s1+$0xFFFFFE90];
	(xrf2) =	vadd.scan.msk.f32 $0xffff, v4  }
0x36: {  	v29 =	vld [tilespmem:s1+$0xFFFFFF10];
	(xrf2) =	vadd.scan.msk.f32 $0xffff, v24  }
0x37: {  	v30 =	vld [tilespmem:s1+$0xFFFFFF90];
	(xrf2) =	vadd.scan.msk.f32 $0xffff, v25  }
0x38: {  	v31 =	vld [tilespmem:s1+$0x10];
	(xrf2) =	vadd.scan.msk.f32 $0xffff, v26  }
0x39: {  	v32 =	vld [tilespmem:s1+$0x90];
	(xrf2) =	vadd.scan.msk.f32 $0xffff, v27  }
0x3a: {  	v33 =	vld [tilespmem:s1+$0x110];
	(xrf2) =	vadd.scan.msk.f32 $0xffff, v28  }
0x3b: {  	v34 =	vld [tilespmem:s1+$0x190];
	v5, _, _ =	vpop (xrf2);
	(xrf2) =	vadd.scan.msk.f32 $0xffff, v29  }
0x3c: {  	v35 =	vld [tilespmem:s1+$0xFFFFFE20];
	v6, _, _ =	vpop (xrf2);
	(v2sf) =	vpush v5, $0xF;
	(xrf2) =	vadd.scan.msk.f32 $0xffff, v30  }
0x3d: {  	v36 =	vld [tilespmem:s1+$0xFFFFFEA0];
	v7, _, _ =	vpop (xrf2);
	(v2sf) =	vpush v6, $0xF;
	(xrf2) =	vadd.scan.msk.f32 $0xffff, v31  }
0x3e: {  	v37 =	vld [tilespmem:s1+$0xFFFFFF20];
	v8, _, _ =	vpop (xrf2);
	(v2sf) =	vpush v7, $0xF;
	(xrf2) =	vadd.scan.msk.f32 $0xffff, v32  }
0x3f: {  	v38 =	vld [tilespmem:s1+$0xFFFFFFA0];
	v9, _, _ =	vpop (xrf2);
	(v2sf) =	vpush v8, $0xF;
	(xrf2) =	vadd.scan.msk.f32 $0xffff, v33  }
0x40: {  	v39 =	vld [tilespmem:s1+$0x20];
	v10, _, _ =	vpop (xrf2);
	(v2sf) =	vpush v9, $0xF;
	(xrf2) =	vadd.scan.msk.f32 $0xffff, v34  }
0x41: {  	v40 =	vld [tilespmem:s1+$0xA0];
	v11, _, _ =	vpop (xrf2);
	(v2sf) =	vpush v10, $0xF;
	(xrf2) =	vadd.scan.msk.f32 $0xffff, v35  }
0x42: {  	v41 =	vld [tilespmem:s1+$0x120];
	v12, _, _ =	vpop (xrf2);
	(v2sf) =	vpush v11, $0xF;
	(xrf2) =	vadd.scan.msk.f32 $0xffff, v36  }
0x43: {  	v42 =	vld [tilespmem:s1+$0x1A0];
	(v2sf) =	vpush v12, $0xF;
	v13, _, _ =	vpop (xrf2);
	(xrf2) =	vadd.scan.msk.f32 $0xffff, v37  }
0x44: {  	v43 =	vld [tilespmem:s1+$0xFFFFFE30];
	v14, _, _ =	vpop (xrf2);
	(v2sf) =	vpush v13, $0xF;
	(xrf2) =	vadd.scan.msk.f32 $0xffff, v38  }
0x45: {  	v44 =	vld [tilespmem:s1+$0xFFFFFEB0];
	v15, _, _ =	vpop (xrf2);
	(v2sf) =	vpush v14, $0xF;
	(xrf2) =	vadd.scan.msk.f32 $0xffff, v39  }
0x46: {  	v45 =	vld [tilespmem:s1+$0xFFFFFF30];
	v16, _, _ =	vpop (xrf2);
	(v2sf) =	vpush v15, $0xF;
	(xrf2) =	vadd.scan.msk.f32 $0xffff, v40  }
0x47: {  	v46 =	vld [tilespmem:s1+$0xFFFFFFB0];
	v17, _, _ =	vpop (xrf2);
	(v2sf) =	vpush v16, $0xF;
	(xrf2) =	vadd.scan.msk.f32 $0xffff, v41  }
0x48: {  	v47 =	vld [tilespmem:s1+$0x30];
	v18, _, _ =	vpop (xrf2);
	(v2sf) =	vpush v17, $0xF;
	(xrf2) =	vadd.scan.msk.f32 $0xffff, v42  }
0x49: {  	v48 =	vld [tilespmem:s1+$0xB0];
	v5 =	vadd.f32 s18, v5;
	v19, _, _ =	vpop (xrf2);
	(v2sf) =	vpush v18, $0xF;
	(xrf2) =	vadd.scan.msk.f32 $0xffff, v43  }
0x4a: {  	v49 =	vld [tilespmem:s1+$0x130];
	v6 =	vadd.f32 s28, v6;
	v20, _, _ =	vpop (xrf2);
	(v2sf) =	vpush v19, $0xF;
	(xrf2) =	vadd.scan.msk.f32 $0xffff, v44  }
0x4b: {  	v52 =	vld [tilespmem:s1+$0x1B0];
	v50 =	vadd.f32 s6, v7;
	s3 =	spop (v2sf);
	(v2sf) =	vpush v20, $0xF;
	v51, _, _ =	vpop (xrf2);
	(xrf2) =	vadd.scan.msk.f32 $0xffff, v45  }
0x4c: {  	v55 =	vld [tilespmem:s1+$0xFFFFFE40];
	v53 =	vadd.f32 s15, v8;
	s14 =	sadd.f32 s3, s18;
	s18 =	spop (v2sf);
	v54, _, _ =	vpop (xrf2);
	(v2sf) =	vpush v51, $0xF;
	(xrf2) =	vadd.scan.msk.f32 $0xffff, v46  }
0x4d: {  	v58 =	vld [tilespmem:s1+$0xFFFFFEC0];
	[tilespmem:s16+$0xFFFFFE00] =	vst v5;
	v56 =	vadd.f32 s9, v9;
	s18 =	sadd.f32 s18, s28;
	s31 =	spop (v2sf);
	v57, _, _ =	vpop (xrf2);
	(v2sf) =	vpush v54, $0xF;
	(xrf2) =	vadd.scan.msk.f32 $0xffff, v47  }
0x4e: {  	v61 =	vld [tilespmem:s1+$0xFFFFFF40];
	[tilespmem:s16+$0xFFFFFE80] =	vst v6;
	v59 =	vadd.f32 s8, v10;
	s6 =	sadd.f32 s31, s6;
	s5 =	spop (v2sf);
	v60, _, _ =	vpop (xrf2);
	(v2sf) =	vpush v57, $0xF;
	(xrf2) =	vadd.scan.msk.f32 $0xffff, v48  }
0x4f: {  	v22 =	vld [tilespmem:s1+$0xFFFFFFC0];
	[tilespmem:s16+$0xFFFFFF00] =	vst v50;
	v62 =	vadd.f32 s7, v11;
	s15 =	sadd.f32 s5, s15;
	s10 =	spop (v2sf);
	v63, _, _ =	vpop (xrf2);
	(v2sf) =	vpush v60, $0xF;
	(xrf2) =	vadd.scan.msk.f32 $0xffff, v49  }
0x50: {  	v25 =	vld [tilespmem:s1+$0x40];
	[tilespmem:s16+$0xFFFFFF80] =	vst v53;
	v23 =	vadd.f32 s17, v12;
	s9 =	sadd.f32 s10, s9;
	s31 =	spop (v2sf);
	v24, _, _ =	vpop (xrf2);
	(v2sf) =	vpush v63, $0xF;
	(xrf2) =	vadd.scan.msk.f32 $0xffff, v52  }
0x51: {  	v28 =	vld [tilespmem:s1+$0xC0];
	[tilespmem:s16+$0x0] =	vst v56;
	v26 =	vadd.f32 s14, v13;
	s8 =	sadd.f32 s31, s8;
	s5 =	spop (v2sf);
	v27, _, _ =	vpop (xrf2);
	(v2sf) =	vpush v24, $0xF;
	(xrf2) =	vadd.scan.msk.f32 $0xffff, v55  }
0x52: {  	v31 =	vld [tilespmem:s1+$0x140];
	[tilespmem:s16+$0x80] =	vst v59;
	v29 =	vadd.f32 s18, v14;
	s7 =	sadd.f32 s5, s7;
	s10 =	spop (v2sf);
	v30, _, _ =	vpop (xrf2);
	(v2sf) =	vpush v27, $0xF;
	(xrf2) =	vadd.scan.msk.f32 $0xffff, v58  }
0x53: {  	v34 =	vld [tilespmem:s1+$0x1C0];
	[tilespmem:s16+$0x100] =	vst v62;
	v32 =	vadd.f32 s6, v15;
	s17 =	sadd.f32 s10, s17;
	s31 =	spop (v2sf);
	(v2sf) =	vpush v30, $0xF;
	v33, _, _ =	vpop (xrf2);
	(xrf2) =	vadd.scan.msk.f32 $0xffff, v61  }
0x54: {  	v37 =	vld [tilespmem:s1+$0xFFFFFE50];
	[tilespmem:s16+$0x180] =	vst v23;
	v35 =	vadd.f32 s15, v16;
	s14 =	sadd.f32 s31, s14;
	s5 =	spop (v2sf);
	v36, _, _ =	vpop (xrf2);
	(v2sf) =	vpush v33, $0xF;
	(xrf2) =	vadd.scan.msk.f32 $0xffff, v22  }
0x55: {  	v40 =	vld [tilespmem:s1+$0xFFFFFED0];
	[tilespmem:s16+$0xFFFFFE10] =	vst v26;
	v38 =	vadd.f32 s9, v17;
	s18 =	sadd.f32 s5, s18;
	s10 =	spop (v2sf);
	v39, _, _ =	vpop (xrf2);
	(v2sf) =	vpush v36, $0xF;
	(xrf2) =	vadd.scan.msk.f32 $0xffff, v25  }
0x56: {  	v43 =	vld [tilespmem:s1+$0xFFFFFF50];
	[tilespmem:s16+$0xFFFFFE90] =	vst v29;
	v41 =	vadd.f32 s8, v18;
	s6 =	sadd.f32 s10, s6;
	s31 =	spop (v2sf);
	v42, _, _ =	vpop (xrf2);
	(v2sf) =	vpush v39, $0xF;
	(xrf2) =	vadd.scan.msk.f32 $0xffff, v28  }
0x57: {  	v46 =	vld [tilespmem:s1+$0xFFFFFFD0];
	[tilespmem:s16+$0xFFFFFF10] =	vst v32;
	v44 =	vadd.f32 s7, v19;
	s15 =	sadd.f32 s31, s15;
	s5 =	spop (v2sf);
	v45, _, _ =	vpop (xrf2);
	(v2sf) =	vpush v42, $0xF;
	(xrf2) =	vadd.scan.msk.f32 $0xffff, v31  }
0x58: {  	v49 =	vld [tilespmem:s1+$0x50];
	[tilespmem:s16+$0xFFFFFF90] =	vst v35;
	v47 =	vadd.f32 s17, v20;
	s9 =	sadd.f32 s5, s9;
	s10 =	spop (v2sf);
	v48, _, _ =	vpop (xrf2);
	(v2sf) =	vpush v45, $0xF;
	(xrf2) =	vadd.scan.msk.f32 $0xffff, v34  }
0x59: {  	v52 =	vld [tilespmem:s1+$0xD0];
	[tilespmem:s16+$0x10] =	vst v38;
	v50 =	vadd.f32 s14, v51;
	s8 =	sadd.f32 s10, s8;
	s31 =	spop (v2sf);
	v51, _, _ =	vpop (xrf2);
	(v2sf) =	vpush v48, $0xF;
	(xrf2) =	vadd.scan.msk.f32 $0xffff, v37  }
0x5a: {  	v55 =	vld [tilespmem:s1+$0x150];
	[tilespmem:s16+$0x90] =	vst v41;
	v53 =	vadd.f32 s18, v54;
	s7 =	sadd.f32 s31, s7;
	s5 =	spop (v2sf);
	v54, _, _ =	vpop (xrf2);
	(v2sf) =	vpush v51, $0xF;
	(xrf2) =	vadd.scan.msk.f32 $0xffff, v40  }
0x5b: {  	v58 =	vld [tilespmem:s1+$0x1D0];
	[tilespmem:s16+$0x110] =	vst v44;
	v56 =	vadd.f32 s6, v57;
	s17 =	sadd.f32 s5, s17;
	s10 =	spop (v2sf);
	(v2sf) =	vpush v54, $0xF;
	v57, _, _ =	vpop (xrf2);
	(xrf2) =	vadd.scan.msk.f32 $0xffff, v43  }
0x5c: {  	v61 =	vld [tilespmem:s1+$0xFFFFFE60];
	[tilespmem:s16+$0x190] =	vst v47;
	v59 =	vadd.f32 s15, v60;
	s14 =	sadd.f32 s10, s14;
	s31 =	spop (v2sf);
	v60, _, _ =	vpop (xrf2);
	(v2sf) =	vpush v57, $0xF;
	(xrf2) =	vadd.scan.msk.f32 $0xffff, v46  }
0x5d: {  	v22 =	vld [tilespmem:s1+$0xFFFFFEE0];
	[tilespmem:s16+$0xFFFFFE20] =	vst v50;
	v62 =	vadd.f32 s9, v63;
	s18 =	sadd.f32 s31, s18;
	s5 =	spop (v2sf);
	v63, _, _ =	vpop (xrf2);
	(v2sf) =	vpush v60, $0xF;
	(xrf2) =	vadd.scan.msk.f32 $0xffff, v49  }
0x5e: {  	[tilespmem:s16+$0xFFFFFEA0] =	vst v53;
	v23 =	vadd.f32 s8, v24;
	v24 =	vld [tilespmem:s1+$0xFFFFFF60];
	s28 =	sadd.f32 s5, s6;
	s10 =	spop (v2sf);
	v12, _, _ =	vpop (xrf2);
	(v2sf) =	vpush v63, $0xF;
	(xrf2) =	vadd.scan.msk.f32 $0xffff, v52  }
0x5f: {  	[tilespmem:s16+$0xFFFFFF20] =	vst v56;
	v25 =	vadd.f32 s7, v27;
	v27 =	vld [tilespmem:s1+$0xFFFFFFE0];
	s15 =	sadd.f32 s10, s15;
	s31 =	spop (v2sf);
	v26, _, _ =	vpop (xrf2);
	(v2sf) =	vpush v12, $0xF;
	(xrf2) =	vadd.scan.msk.f32 $0xffff, v55  }
0x60: {  	[tilespmem:s16+$0xFFFFFFA0] =	vst v59;
	v28 =	vadd.f32 s17, v30;
	v30 =	vld [tilespmem:s1+$0x60];
	s9 =	sadd.f32 s31, s9;
	s5 =	spop (v2sf);
	v29, _, _ =	vpop (xrf2);
	(v2sf) =	vpush v26, $0xF;
	(xrf2) =	vadd.scan.msk.f32 $0xffff, v58  }
0x61: {  	[tilespmem:s16+$0x20] =	vst v62;
	v31 =	vadd.f32 s14, v33;
	v33 =	vld [tilespmem:s1+$0xE0];
	s31 =	sadd.f32 s5, s8;
	s6 =	spop (v2sf);
	v32, _, _ =	vpop (xrf2);
	(v2sf) =	vpush v29, $0xF;
	(xrf2) =	vadd.scan.msk.f32 $0xffff, v61  }
0x62: {  	[tilespmem:s16+$0xA0] =	vst v23;
	v34 =	vadd.f32 s18, v36;
	v36 =	vld [tilespmem:s1+$0x160];
	s3 =	sadd.f32 s6, s7;
	s5 =	spop (v2sf);
	v35, _, _ =	vpop (xrf2);
	(v2sf) =	vpush v32, $0xF;
	(xrf2) =	vadd.scan.msk.f32 $0xffff, v22  }
0x63: {  	[tilespmem:s16+$0x120] =	vst v25;
	v37 =	vadd.f32 s28, v39;
	v39 =	vld [tilespmem:s1+$0x1E0];
	s17 =	sadd.f32 s5, s17;
	s7 =	spop (v2sf);
	(v2sf) =	vpush v35, $0xF;
	v38, _, _ =	vpop (xrf2);
	(xrf2) =	vadd.scan.msk.f32 $0xffff, v24  }
0x64: {  	[tilespmem:s16+$0x1A0] =	vst v28;
	v40 =	vadd.f32 s15, v42;
	v42 =	vld [tilespmem:s1+$0xFFFFFE70];
	s6 =	sadd.f32 s7, s14;
	s8 =	spop (v2sf);
	v41, _, _ =	vpop (xrf2);
	(v2sf) =	vpush v38, $0xF;
	(xrf2) =	vadd.scan.msk.f32 $0xffff, v27  }
0x65: {  	[tilespmem:s16+$0xFFFFFE30] =	vst v31;
	v43 =	vadd.f32 s9, v45;
	v45 =	vld [tilespmem:s1+$0xFFFFFEF0];
	s7 =	sadd.f32 s8, s18;
	s10 =	spop (v2sf);
	v44, _, _ =	vpop (xrf2);
	(v2sf) =	vpush v41, $0xF;
	(xrf2) =	vadd.scan.msk.f32 $0xffff, v30  }
0x66: {  	[tilespmem:s16+$0xFFFFFEB0] =	vst v34;
	v46 =	vadd.f32 s31, v48;
	v48 =	vld [tilespmem:s1+$0xFFFFFF70];
	s8 =	sadd.f32 s10, s28;
	s14 =	spop (v2sf);
	v47, _, _ =	vpop (xrf2);
	(v2sf) =	vpush v44, $0xF;
	(xrf2) =	vadd.scan.msk.f32 $0xffff, v33  }
0x67: {  	[tilespmem:s16+$0xFFFFFF30] =	vst v37;
	v49 =	vadd.f32 s3, v51;
	v51 =	vld [tilespmem:s1+$0xFFFFFFF0];
	s14 =	sadd.f32 s14, s15;
	s18 =	spop (v2sf);
	v50, _, _ =	vpop (xrf2);
	(v2sf) =	vpush v47, $0xF;
	(xrf2) =	vadd.scan.msk.f32 $0xffff, v36  }
0x68: {  	[tilespmem:s16+$0xFFFFFFB0] =	vst v40;
	s5 =	sadd.f32 s18, s9;
	s10 =	spop (v2sf);
	v53, _, _ =	vpop (xrf2);
	(v2sf) =	vpush v50, $0xF;
	(xrf2) =	vadd.scan.msk.f32 $0xffff, v39  }
0x69: {  	[tilespmem:s16+$0x30] =	vst v43;
	v52 =	vadd.f32 s17, v54;
	v54 =	vld [tilespmem:s1+$0x70];
	s9 =	sadd.f32 s10, s31;
	s10 =	spop (v2sf);
	v56, _, _ =	vpop (xrf2);
	(v2sf) =	vpush v53, $0xF;
	(xrf2) =	vadd.scan.msk.f32 $0xffff, v42  }
0x6a: {  	[tilespmem:s16+$0xB0] =	vst v46;
	v55 =	vadd.f32 s6, v57;
	v57 =	vld [tilespmem:s1+$0xF0];
	s3 =	sadd.f32 s10, s3;
	s15 =	spop (v2sf);
	v59, _, _ =	vpop (xrf2);
	(v2sf) =	vpush v56, $0xF;
	(xrf2) =	vadd.scan.msk.f32 $0xffff, v45  }
0x6b: {  	[tilespmem:s16+$0x130] =	vst v49;
	v58 =	vadd.f32 s7, v60;
	v60 =	vld [tilespmem:s1+$0x170];
	s10 =	sadd.f32 s15, s17;
	s18 =	spop (v2sf);
	(v2sf) =	vpush v59, $0xF;
	v62, _, _ =	vpop (xrf2);
	(xrf2) =	vadd.scan.msk.f32 $0xffff, v48  }
0x6c: {  	[tilespmem:s16+$0x1B0] =	vst v52;
	v61 =	vadd.f32 s8, v63;
	v63 =	vld [tilespmem:s1+$0x1F0];
	v21, _, _ =	vpop (xrf2);
	(xrf2) =	vadd.scan.msk.f32 $0xffff, v51;
	s6 =	sadd.f32 s18, s6;
	s31 =	spop (v2sf);
	(v2sf) =	vpush v62, $0xF  }
0x6d: {  	[tilespmem:s16+$0xFFFFFE40] =	vst v55;
	v23, _, _ =	vpop (xrf2);
	s7 =	sadd.f32 s31, s7;
	s17 =	spop (v2sf);
	(v2sf) =	vpush v21, $0xF  }
0x6e: {  	[tilespmem:s16+$0xFFFFFEC0] =	vst v58;
	v22 =	vadd.f32 s14, v12;
	(xrf2) =	vadd.scan.msk.f32 $0xffff, v54;
	v25, _, _ =	vpop (xrf2);
	s8 =	sadd.f32 s17, s8;
	s18 =	spop (v2sf);
	(v2sf) =	vpush v23, $0xF  }
0x6f: {  	[tilespmem:s16+$0xFFFFFF40] =	vst v61;
	v24 =	vadd.f32 s5, v26;
	(xrf2) =	vadd.scan.msk.f32 $0xffff, v57;
	v27, _, _ =	vpop (xrf2);
	s14 =	sadd.f32 s18, s14;
	s31 =	spop (v2sf);
	(v2sf) =	vpush v25, $0xF  }
0x70: {  	[tilespmem:s16+$0xFFFFFFC0] =	vst v22;
	v26 =	vadd.f32 s9, v29;
	(xrf2) =	vadd.scan.msk.f32 $0xffff, v60;
	s5 =	sadd.f32 s31, s5;
	s17 =	spop (v2sf);
	v30, _, _ =	vpop (xrf2);
	(v2sf) =	vpush v27, $0xF  }
0x71: {  	[tilespmem:s16+$0x40] =	vst v24;
	v28 =	vadd.f32 s3, v32;
	(xrf2) =	vadd.scan.msk.f32 $0xffff, v63;
	v31, _, _ =	vpop (xrf2);
	s9 =	sadd.f32 s17, s9;
	s18 =	spop (v2sf);
	(v2sf) =	vpush v30, $0xF  }
0x72: {  	[tilespmem:s16+$0xC0] =	vst v26;
	v29 =	vadd.f32 s10, v35;
	v33, _, _ =	vpop (xrf2);
	s3 =	sadd.f32 s18, s3;
	s31 =	spop (v2sf);
	(v2sf) =	vpush v31, $0xF  }
0x73: {  	[tilespmem:s16+$0x140] =	vst v28;
	v32 =	vadd.f32 s6, v38;
	v35, _, _ =	vpop (xrf2);
	s10 =	sadd.f32 s31, s10;
	s17 =	spop (v2sf);
	(v2sf) =	vpush v33, $0xF  }
0x74: {  	[tilespmem:s16+$0x1C0] =	vst v29;
	v34 =	vadd.f32 s7, v41;
	v37, _, _ =	vpop (xrf2);
	s6 =	sadd.f32 s17, s6;
	s18 =	spop (v2sf);
	(v2sf) =	vpush v35, $0xF  }
0x75: {  	[tilespmem:s16+$0xFFFFFE50] =	vst v32;
	v36 =	vadd.f32 s8, v44;
	v39, _, _ =	vpop (xrf2);
	s7 =	sadd.f32 s18, s7;
	s31 =	spop (v2sf);
	(v2sf) =	vpush v37, $0xF  }
0x76: {  	[tilespmem:s16+$0xFFFFFED0] =	vst v34;
	v38 =	vadd.f32 s14, v47;
	v41, _, _ =	vpop (xrf2);
	s8 =	sadd.f32 s31, s8;
	s17 =	spop (v2sf);
	(v2sf) =	vpush v39, $0xF  }
0x77: {  	[tilespmem:s16+$0xFFFFFF50] =	vst v36;
	v40 =	vadd.f32 s5, v50;
	s14 =	sadd.f32 s17, s14;
	s18 =	spop (v2sf);
	(v2sf) =	vpush v41, $0xF  }
0x78: {  	[tilespmem:s16+$0xFFFFFFD0] =	vst v38;
	v42 =	vadd.f32 s9, v53;
	v43, _, _ =	vpop (xrf2);
	s5 =	sadd.f32 s18, s5;
	s31 =	spop (v2sf)  }
0x79: {  	[tilespmem:s16+$0x50] =	vst v40;
	v44 =	vadd.f32 s3, v56;
	v45, _, _ =	vpop (xrf2);
	(v2sf) =	vpush v43, $0xF;
	s9 =	sadd.f32 s31, s9;
	s17 =	spop (v2sf)  }
0x7a: {  	[tilespmem:s16+$0xD0] =	vst v42;
	v46 =	vadd.f32 s10, v59;
	v47, _, _ =	vpop (xrf2);
	(v2sf) =	vpush v45, $0xF;
	s3 =	sadd.f32 s17, s3;
	s18 =	spop (v2sf)  }
0x7b: {  	[tilespmem:s16+$0x150] =	vst v44;
	v48 =	vadd.f32 s6, v62;
	v50, _, _ =	vpop (xrf2);
	(v2sf) =	vpush v47, $0xF;
	s10 =	sadd.f32 s18, s10;
	s31 =	spop (v2sf)  }
0x7c: {  	[tilespmem:s16+$0x1D0] =	vst v46;
	v49 =	vadd.f32 s7, v21;
	(v2sf) =	vpush v50, $0xF;
	s6 =	sadd.f32 s31, s6;
	s17 =	spop (v2sf)  }
0x7d: {  	[tilespmem:s16+$0xFFFFFE60] =	vst v48;
	v51 =	vadd.f32 s8, v23;
	s7 =	sadd.f32 s17, s7;
	s18 =	spop (v2sf)  }
0x7e: {  	[tilespmem:s16+$0xFFFFFEE0] =	vst v49;
	v52 =	vadd.f32 s14, v25;
	s8 =	sadd.f32 s18, s8;
	s31 =	spop (v2sf)  }
0x7f: {  	[tilespmem:s16+$0xFFFFFF60] =	vst v51;
	v0 =	vadd.f32 s5, v27;
	s14 =	sadd.f32 s31, s14;
	s17 =	spop (v2sf)  }
0x80: {  	[tilespmem:s16+$0xFFFFFFE0] =	vst v52;
	v53 =	vadd.f32 s9, v30;
	s5 =	sadd.f32 s17, s5;
	s18 =	spop (v2sf)  }
0x81: {  	[tilespmem:s16+$0x60] =	vst v0;
	v54 =	vadd.f32 s3, v31;
	s17 =	sadd.f32 s18, s9;
	s31 =	spop (v2sf)  }
0x82: {  	[tilespmem:s16+$0xE0] =	vst v53;
	v55 =	vadd.f32 s10, v33;
	s3 =	sadd.f32 s31, s3;
	s15 =	spop (v2sf)  }
0x83: {  	[tilespmem:s16+$0x160] =	vst v54;
	v56 =	vadd.f32 s6, v35;
	s10 =	sadd.f32 s15, s10;
	s18 =	spop (v2sf)  }
0x84: {  	[tilespmem:s16+$0x1E0] =	vst v55;
	v57 =	vadd.f32 s7, v37;
	s18 =	sadd.f32 s18, s6;
	s31 =	spop (v2sf)  }
0x85: {  	[tilespmem:s16+$0xFFFFFE70] =	vst v56;
	v58 =	vadd.f32 s8, v39;
	s28 =	sadd.f32 s31, s7;
	s7 =	spop (v2sf)  }
0x86: {  	s0 =	sadd.s32 $0x8, s0;
	[tilespmem:s16+$0xFFFFFEF0] =	vst v57;
	v59 =	vadd.f32 s14, v41;
	s6 =	sadd.f32 s7, s8;
	s8 =	spop (v2sf)  }
0x87: {  	p0 =	slt.u32 s0, $0x78;
	[tilespmem:s16+$0xFFFFFF70] =	vst v58;
	v60 =	vadd.f32 s5, v43;
	s15 =	sadd.f32 s8, s14  }
.Ltmp2:
0x88: {  	[tilespmem:s16+$0xFFFFFFF0] =	vst v59;
	v61 =	vadd.f32 s17, v45;
	s9 =	spop (v2sf);
	(pc) =	sbr.rel @p0 .LBB2_3-.Ltmp2, $4  }
0x89: {  	[tilespmem:s16+$0x70] =	vst v60;
	v62 =	vadd.f32 s3, v47;
	s9 =	sadd.f32 s9, s5;
	s14 =	spop (v2sf)  }
0x8a: {  	[tilespmem:s16+$0xF0] =	vst v61;
	v63 =	vadd.f32 s10, v50;
	s8 =	sadd.f32 s14, s17;
	s17 =	spop (v2sf)  }
0x8b: {  	[tilespmem:s16+$0x170] =	vst v62;
	s7 =	sadd.f32 s17, s3;
	s31 =	spop (v2sf)  }
0x8c: {  	s1 =	sadd.s32 $0x400, s1;
	[tilespmem:s16+$0x1F0] =	vst v63;
	s16 =	sadd.s32 $0x400, s16;
	s17 =	sadd.f32 s31, s10  }
0x8d: {  	s0 =	sshll.u32 s29, $0xD;
	s1 =	rddreg [dreg:$0x7]  }
0x8e: {  	s0 =	sadd.s32 s0, s1  }
0x8f: {  	[hbm4b:s0+s4] =	stream.linear.scatter [tilespmem:s20], [sflag:$0x5], $0x4000, $0x38;
	[tilespmem:$0x18000] =	vst v63  }
0x90: {  	p0 =	seq.s32 s29, $0x7;
	s0 =	rddreg [dreg:$0x8]  }
0x91: {  	s0 =	sadd.s32 @!p0 s30, s0  }
0x92: {  	s31 =	sadd.s32 s30, s12;
	s0 =	sshll.u32 @!p0 s0, $0x8  }
0x93: {  	s7 =	simm.f32 $0.0e+00;
	s1 =	simm.s32 @!p0 $0x0;
	s0 =	sadd.s32 @!p0 s2, s0  }
0x94: {  	[tilespmem:s1], [sflag:$0x1] =	stream.linear.gather @!p0 [hbm4b:s0+s1], $0x4000, $0x38;
	[tilespmem:$0x18000] =	vst v63  }
0x95: {  	s16 =	simm.s32 $0x4200;
	s17 =	simm.s32 $0x14200;
	_ =	swait.ge [sflag:s21], $0x4000  }
0x96: {  	s8 =	simm.f32 $0.0e+00;
	s9 =	simm.f32 $0.0e+00;
	[sflag:s21] =	ssyncset.done $0x0  }
0x97: {  	s15 =	simm.f32 $0.0e+00;
	s1 =	simm.s32 @!p1 $0x6;
	[sflag:s21] =	ssyncadd.s32 $0xFFFFC000  }
0x98: {  	s6 =	simm.f32 $0.0e+00;
	s28 =	simm.f32 $0.0e+00;
	_ =	swait.ge @!p1 [sflag:s1], $0x4000  }
0x99: {  	s18 =	simm.f32 $0.0e+00;
	s14 =	simm.f32 $0.0e+00;
	[sflag:s1] =	ssyncset.done @!p1 $0x0  }
0x9a: {  	s0 =	sadd.s32 $0x8, s31;
	[sflag:s1] =	ssyncadd.s32 @!p1 $0xFFFFC000;
	s1 =	simm.s32 $0xFFFFFFF8  }
.LBB2_5:
0x9b: {  	v0 =	vld [tilespmem:s16+$0xFFFFFE00]  }
0x9c: {  	v1 =	vld [tilespmem:s16+$0xFFFFFE80]  }
0x9d: {  	v2 =	vld [tilespmem:s16+$0xFFFFFF00]  }
0x9e: {  	v3 =	vld [tilespmem:s16+$0xFFFFFF80]  }
0x9f: {  	v4 =	vld [tilespmem:s16+$0x0]  }
0xa0: {  	v24 =	vld [tilespmem:s16+$0x80];
	(xrf2) =	vadd.scan.msk.f32 $0xffff, v0  }
0xa1: {  	v25 =	vld [tilespmem:s16+$0x100];
	(xrf2) =	vadd.scan.msk.f32 $0xffff, v1  }
0xa2: {  	v26 =	vld [tilespmem:s16+$0x180];
	(xrf2) =	vadd.scan.msk.f32 $0xffff, v2  }
0xa3: {  	v27 =	vld [tilespmem:s16+$0xFFFFFE10];
	(xrf2) =	vadd.scan.msk.f32 $0xffff, v3  }
0xa4: {  	v28 =	vld [tilespmem:s16+$0xFFFFFE90];
	(xrf2) =	vadd.scan.msk.f32 $0xffff, v4  }
0xa5: {  	v29 =	vld [tilespmem:s16+$0xFFFFFF10];
	(xrf2) =	vadd.scan.msk.f32 $0xffff, v24  }
0xa6: {  	v30 =	vld [tilespmem:s16+$0xFFFFFF90];
	(xrf2) =	vadd.scan.msk.f32 $0xffff, v25  }
0xa7: {  	v31 =	vld [tilespmem:s16+$0x10];
	(xrf2) =	vadd.scan.msk.f32 $0xffff, v26  }
0xa8: {  	v32 =	vld [tilespmem:s16+$0x90];
	(xrf2) =	vadd.scan.msk.f32 $0xffff, v27  }
0xa9: {  	v33 =	vld [tilespmem:s16+$0x110];
	(xrf2) =	vadd.scan.msk.f32 $0xffff, v28  }
0xaa: {  	v34 =	vld [tilespmem:s16+$0x190];
	v5, _, _ =	vpop (xrf2);
	(xrf2) =	vadd.scan.msk.f32 $0xffff, v29  }
0xab: {  	v35 =	vld [tilespmem:s16+$0xFFFFFE20];
	v6, _, _ =	vpop (xrf2);
	(v2sf) =	vpush v5, $0xF;
	(xrf2) =	vadd.scan.msk.f32 $0xffff, v30  }
0xac: {  	v36 =	vld [tilespmem:s16+$0xFFFFFEA0];
	v7, _, _ =	vpop (xrf2);
	(v2sf) =	vpush v6, $0xF;
	(xrf2) =	vadd.scan.msk.f32 $0xffff, v31  }
0xad: {  	v37 =	vld [tilespmem:s16+$0xFFFFFF20];
	v8, _, _ =	vpop (xrf2);
	(v2sf) =	vpush v7, $0xF;
	(xrf2) =	vadd.scan.msk.f32 $0xffff, v32  }
0xae: {  	v38 =	vld [tilespmem:s16+$0xFFFFFFA0];
	v9, _, _ =	vpop (xrf2);
	(v2sf) =	vpush v8, $0xF;
	(xrf2) =	vadd.scan.msk.f32 $0xffff, v33  }
0xaf: {  	v39 =	vld [tilespmem:s16+$0x20];
	v10, _, _ =	vpop (xrf2);
	(v2sf) =	vpush v9, $0xF;
	(xrf2) =	vadd.scan.msk.f32 $0xffff, v34  }
0xb0: {  	v40 =	vld [tilespmem:s16+$0xA0];
	v11, _, _ =	vpop (xrf2);
	(v2sf) =	vpush v10, $0xF;
	(xrf2) =	vadd.scan.msk.f32 $0xffff, v35  }
0xb1: {  	v41 =	vld [tilespmem:s16+$0x120];
	v12, _, _ =	vpop (xrf2);
	(v2sf) =	vpush v11, $0xF;
	(xrf2) =	vadd.scan.msk.f32 $0xffff, v36  }
0xb2: {  	v42 =	vld [tilespmem:s16+$0x1A0];
	(v2sf) =	vpush v12, $0xF;
	v13, _, _ =	vpop (xrf2);
	(xrf2) =	vadd.scan.msk.f32 $0xffff, v37  }
0xb3: {  	v43 =	vld [tilespmem:s16+$0xFFFFFE30];
	v14, _, _ =	vpop (xrf2);
	(v2sf) =	vpush v13, $0xF;
	(xrf2) =	vadd.scan.msk.f32 $0xffff, v38  }
0xb4: {  	v44 =	vld [tilespmem:s16+$0xFFFFFEB0];
	v15, _, _ =	vpop (xrf2);
	(v2sf) =	vpush v14, $0xF;
	(xrf2) =	vadd.scan.msk.f32 $0xffff, v39  }
0xb5: {  	v45 =	vld [tilespmem:s16+$0xFFFFFF30];
	v16, _, _ =	vpop (xrf2);
	(v2sf) =	vpush v15, $0xF;
	(xrf2) =	vadd.scan.msk.f32 $0xffff, v40  }
0xb6: {  	v46 =	vld [tilespmem:s16+$0xFFFFFFB0];
	v17, _, _ =	vpop (xrf2);
	(v2sf) =	vpush v16, $0xF;
	(xrf2) =	vadd.scan.msk.f32 $0xffff, v41  }
0xb7: {  	v47 =	vld [tilespmem:s16+$0x30];
	v18, _, _ =	vpop (xrf2);
	(v2sf) =	vpush v17, $0xF;
	(xrf2) =	vadd.scan.msk.f32 $0xffff, v42  }
0xb8: {  	v48 =	vld [tilespmem:s16+$0xB0];
	v5 =	vadd.f32 s14, v5;
	v19, _, _ =	vpop (xrf2);
	(v2sf) =	vpush v18, $0xF;
	(xrf2) =	vadd.scan.msk.f32 $0xffff, v43  }
0xb9: {  	v49 =	vld [tilespmem:s16+$0x130];
	v6 =	vadd.f32 s18, v6;
	v20, _, _ =	vpop (xrf2);
	(v2sf) =	vpush v19, $0xF;
	(xrf2) =	vadd.scan.msk.f32 $0xffff, v44  }
0xba: {  	v52 =	vld [tilespmem:s16+$0x1B0];
	v50 =	vadd.f32 s28, v7;
	s3 =	spop (v2sf);
	(v2sf) =	vpush v20, $0xF;
	v51, _, _ =	vpop (xrf2);
	(xrf2) =	vadd.scan.msk.f32 $0xffff, v45  }
0xbb: {  	v55 =	vld [tilespmem:s16+$0xFFFFFE40];
	v53 =	vadd.f32 s6, v8;
	s3 =	sadd.f32 s3, s14;
	s5 =	spop (v2sf);
	v54, _, _ =	vpop (xrf2);
	(v2sf) =	vpush v51, $0xF;
	(xrf2) =	vadd.scan.msk.f32 $0xffff, v46  }
0xbc: {  	v58 =	vld [tilespmem:s16+$0xFFFFFEC0];
	[tilespmem:s17+$0xFFFFFE00] =	vst v5;
	v56 =	vadd.f32 s15, v9;
	s14 =	sadd.f32 s5, s18;
	s18 =	spop (v2sf);
	v57, _, _ =	vpop (xrf2);
	(v2sf) =	vpush v54, $0xF;
	(xrf2) =	vadd.scan.msk.f32 $0xffff, v47  }
0xbd: {  	v61 =	vld [tilespmem:s16+$0xFFFFFF40];
	[tilespmem:s17+$0xFFFFFE80] =	vst v6;
	v59 =	vadd.f32 s9, v10;
	s18 =	sadd.f32 s18, s28;
	s10 =	spop (v2sf);
	v60, _, _ =	vpop (xrf2);
	(v2sf) =	vpush v57, $0xF;
	(xrf2) =	vadd.scan.msk.f32 $0xffff, v48  }
0xbe: {  	v22 =	vld [tilespmem:s16+$0xFFFFFFC0];
	[tilespmem:s17+$0xFFFFFF00] =	vst v50;
	v62 =	vadd.f32 s8, v11;
	s6 =	sadd.f32 s10, s6;
	s10 =	spop (v2sf);
	v63, _, _ =	vpop (xrf2);
	(v2sf) =	vpush v60, $0xF;
	(xrf2) =	vadd.scan.msk.f32 $0xffff, v49  }
0xbf: {  	v25 =	vld [tilespmem:s16+$0x40];
	[tilespmem:s17+$0xFFFFFF80] =	vst v53;
	v23 =	vadd.f32 s7, v12;
	s15 =	sadd.f32 s10, s15;
	s10 =	spop (v2sf);
	v24, _, _ =	vpop (xrf2);
	(v2sf) =	vpush v63, $0xF;
	(xrf2) =	vadd.scan.msk.f32 $0xffff, v52  }
0xc0: {  	v28 =	vld [tilespmem:s16+$0xC0];
	[tilespmem:s17+$0x0] =	vst v56;
	v26 =	vadd.f32 s3, v13;
	s9 =	sadd.f32 s10, s9;
	s10 =	spop (v2sf);
	v27, _, _ =	vpop (xrf2);
	(v2sf) =	vpush v24, $0xF;
	(xrf2) =	vadd.scan.msk.f32 $0xffff, v55  }
0xc1: {  	v31 =	vld [tilespmem:s16+$0x140];
	[tilespmem:s17+$0x80] =	vst v59;
	v29 =	vadd.f32 s14, v14;
	s8 =	sadd.f32 s10, s8;
	s10 =	spop (v2sf);
	v30, _, _ =	vpop (xrf2);
	(v2sf) =	vpush v27, $0xF;
	(xrf2) =	vadd.scan.msk.f32 $0xffff, v58  }
0xc2: {  	v34 =	vld [tilespmem:s16+$0x1C0];
	[tilespmem:s17+$0x100] =	vst v62;
	v32 =	vadd.f32 s18, v15;
	s7 =	sadd.f32 s10, s7;
	s10 =	spop (v2sf);
	(v2sf) =	vpush v30, $0xF;
	v33, _, _ =	vpop (xrf2);
	(xrf2) =	vadd.scan.msk.f32 $0xffff, v61  }
0xc3: {  	v37 =	vld [tilespmem:s16+$0xFFFFFE50];
	[tilespmem:s17+$0x180] =	vst v23;
	v35 =	vadd.f32 s6, v16;
	s3 =	sadd.f32 s10, s3;
	s10 =	spop (v2sf);
	v36, _, _ =	vpop (xrf2);
	(v2sf) =	vpush v33, $0xF;
	(xrf2) =	vadd.scan.msk.f32 $0xffff, v22  }
0xc4: {  	v40 =	vld [tilespmem:s16+$0xFFFFFED0];
	[tilespmem:s17+$0xFFFFFE10] =	vst v26;
	v38 =	vadd.f32 s15, v17;
	s14 =	sadd.f32 s10, s14;
	s10 =	spop (v2sf);
	v39, _, _ =	vpop (xrf2);
	(v2sf) =	vpush v36, $0xF;
	(xrf2) =	vadd.scan.msk.f32 $0xffff, v25  }
0xc5: {  	v43 =	vld [tilespmem:s16+$0xFFFFFF50];
	[tilespmem:s17+$0xFFFFFE90] =	vst v29;
	v41 =	vadd.f32 s9, v18;
	s18 =	sadd.f32 s10, s18;
	s10 =	spop (v2sf);
	v42, _, _ =	vpop (xrf2);
	(v2sf) =	vpush v39, $0xF;
	(xrf2) =	vadd.scan.msk.f32 $0xffff, v28  }
0xc6: {  	v46 =	vld [tilespmem:s16+$0xFFFFFFD0];
	[tilespmem:s17+$0xFFFFFF10] =	vst v32;
	v44 =	vadd.f32 s8, v19;
	s6 =	sadd.f32 s10, s6;
	s10 =	spop (v2sf);
	v45, _, _ =	vpop (xrf2);
	(v2sf) =	vpush v42, $0xF;
	(xrf2) =	vadd.scan.msk.f32 $0xffff, v31  }
0xc7: {  	v49 =	vld [tilespmem:s16+$0x50];
	[tilespmem:s17+$0xFFFFFF90] =	vst v35;
	v47 =	vadd.f32 s7, v20;
	s15 =	sadd.f32 s10, s15;
	s10 =	spop (v2sf);
	v48, _, _ =	vpop (xrf2);
	(v2sf) =	vpush v45, $0xF;
	(xrf2) =	vadd.scan.msk.f32 $0xffff, v34  }
0xc8: {  	v52 =	vld [tilespmem:s16+$0xD0];
	[tilespmem:s17+$0x10] =	vst v38;
	v50 =	vadd.f32 s3, v51;
	s9 =	sadd.f32 s10, s9;
	s10 =	spop (v2sf);
	v51, _, _ =	vpop (xrf2);
	(v2sf) =	vpush v48, $0xF;
	(xrf2) =	vadd.scan.msk.f32 $0xffff, v37  }
0xc9: {  	v55 =	vld [tilespmem:s16+$0x150];
	[tilespmem:s17+$0x90] =	vst v41;
	v53 =	vadd.f32 s14, v54;
	s8 =	sadd.f32 s10, s8;
	s10 =	spop (v2sf);
	v54, _, _ =	vpop (xrf2);
	(v2sf) =	vpush v51, $0xF;
	(xrf2) =	vadd.scan.msk.f32 $0xffff, v40  }
0xca: {  	v58 =	vld [tilespmem:s16+$0x1D0];
	[tilespmem:s17+$0x110] =	vst v44;
	v56 =	vadd.f32 s18, v57;
	s7 =	sadd.f32 s10, s7;
	s10 =	spop (v2sf);
	(v2sf) =	vpush v54, $0xF;
	v57, _, _ =	vpop (xrf2);
	(xrf2) =	vadd.scan.msk.f32 $0xffff, v43  }
0xcb: {  	v61 =	vld [tilespmem:s16+$0xFFFFFE60];
	[tilespmem:s17+$0x190] =	vst v47;
	v59 =	vadd.f32 s6, v60;
	s3 =	sadd.f32 s10, s3;
	s10 =	spop (v2sf);
	v60, _, _ =	vpop (xrf2);
	(v2sf) =	vpush v57, $0xF;
	(xrf2) =	vadd.scan.msk.f32 $0xffff, v46  }
0xcc: {  	v22 =	vld [tilespmem:s16+$0xFFFFFEE0];
	[tilespmem:s17+$0xFFFFFE20] =	vst v50;
	v62 =	vadd.f32 s15, v63;
	s14 =	sadd.f32 s10, s14;
	s10 =	spop (v2sf);
	v63, _, _ =	vpop (xrf2);
	(v2sf) =	vpush v60, $0xF;
	(xrf2) =	vadd.scan.msk.f32 $0xffff, v49  }
0xcd: {  	[tilespmem:s17+$0xFFFFFEA0] =	vst v53;
	v23 =	vadd.f32 s9, v24;
	v24 =	vld [tilespmem:s16+$0xFFFFFF60];
	s18 =	sadd.f32 s10, s18;
	s10 =	spop (v2sf);
	v12, _, _ =	vpop (xrf2);
	(v2sf) =	vpush v63, $0xF;
	(xrf2) =	vadd.scan.msk.f32 $0xffff, v52  }
0xce: {  	[tilespmem:s17+$0xFFFFFF20] =	vst v56;
	v25 =	vadd.f32 s8, v27;
	v27 =	vld [tilespmem:s16+$0xFFFFFFE0];
	s28 =	sadd.f32 s10, s6;
	s10 =	spop (v2sf);
	v26, _, _ =	vpop (xrf2);
	(v2sf) =	vpush v12, $0xF;
	(xrf2) =	vadd.scan.msk.f32 $0xffff, v55  }
0xcf: {  	[tilespmem:s17+$0xFFFFFFA0] =	vst v59;
	v28 =	vadd.f32 s7, v30;
	v30 =	vld [tilespmem:s16+$0x60];
	s15 =	sadd.f32 s10, s15;
	s6 =	spop (v2sf);
	v29, _, _ =	vpop (xrf2);
	(v2sf) =	vpush v26, $0xF;
	(xrf2) =	vadd.scan.msk.f32 $0xffff, v58  }
0xd0: {  	[tilespmem:s17+$0x20] =	vst v62;
	v31 =	vadd.f32 s3, v33;
	v33 =	vld [tilespmem:s16+$0xE0];
	s9 =	sadd.f32 s6, s9;
	s10 =	spop (v2sf);
	v32, _, _ =	vpop (xrf2);
	(v2sf) =	vpush v29, $0xF;
	(xrf2) =	vadd.scan.msk.f32 $0xffff, v61  }
0xd1: {  	[tilespmem:s17+$0xA0] =	vst v23;
	v34 =	vadd.f32 s14, v36;
	v36 =	vld [tilespmem:s16+$0x160];
	s10 =	sadd.f32 s10, s8;
	s6 =	spop (v2sf);
	v35, _, _ =	vpop (xrf2);
	(v2sf) =	vpush v32, $0xF;
	(xrf2) =	vadd.scan.msk.f32 $0xffff, v22  }
0xd2: {  	[tilespmem:s17+$0x120] =	vst v25;
	v37 =	vadd.f32 s18, v39;
	v39 =	vld [tilespmem:s16+$0x1E0];
	s5 =	sadd.f32 s6, s7;
	s8 =	spop (v2sf);
	(v2sf) =	vpush v35, $0xF;
	v38, _, _ =	vpop (xrf2);
	(xrf2) =	vadd.scan.msk.f32 $0xffff, v24  }
0xd3: {  	[tilespmem:s17+$0x1A0] =	vst v28;
	v40 =	vadd.f32 s28, v42;
	v42 =	vld [tilespmem:s16+$0xFFFFFE70];
	s6 =	sadd.f32 s8, s3;
	s7 =	spop (v2sf);
	v41, _, _ =	vpop (xrf2);
	(v2sf) =	vpush v38, $0xF;
	(xrf2) =	vadd.scan.msk.f32 $0xffff, v27  }
0xd4: {  	[tilespmem:s17+$0xFFFFFE30] =	vst v31;
	v43 =	vadd.f32 s15, v45;
	v45 =	vld [tilespmem:s16+$0xFFFFFEF0];
	s7 =	sadd.f32 s7, s14;
	s8 =	spop (v2sf);
	v44, _, _ =	vpop (xrf2);
	(v2sf) =	vpush v41, $0xF;
	(xrf2) =	vadd.scan.msk.f32 $0xffff, v30  }
0xd5: {  	[tilespmem:s17+$0xFFFFFEB0] =	vst v34;
	v46 =	vadd.f32 s9, v48;
	v48 =	vld [tilespmem:s16+$0xFFFFFF70];
	s8 =	sadd.f32 s8, s18;
	s14 =	spop (v2sf);
	v47, _, _ =	vpop (xrf2);
	(v2sf) =	vpush v44, $0xF;
	(xrf2) =	vadd.scan.msk.f32 $0xffff, v33  }
0xd6: {  	[tilespmem:s17+$0xFFFFFF30] =	vst v37;
	v49 =	vadd.f32 s10, v51;
	v51 =	vld [tilespmem:s16+$0xFFFFFFF0];
	s3 =	sadd.f32 s14, s28;
	s18 =	spop (v2sf);
	v50, _, _ =	vpop (xrf2);
	(v2sf) =	vpush v47, $0xF;
	(xrf2) =	vadd.scan.msk.f32 $0xffff, v36  }
0xd7: {  	[tilespmem:s17+$0xFFFFFFB0] =	vst v40;
	s14 =	sadd.f32 s18, s15;
	s18 =	spop (v2sf);
	v53, _, _ =	vpop (xrf2);
	(v2sf) =	vpush v50, $0xF;
	(xrf2) =	vadd.scan.msk.f32 $0xffff, v39  }
0xd8: {  	[tilespmem:s17+$0x30] =	vst v43;
	v52 =	vadd.f32 s5, v54;
	v54 =	vld [tilespmem:s16+$0x70];
	s9 =	sadd.f32 s18, s9;
	s18 =	spop (v2sf);
	v56, _, _ =	vpop (xrf2);
	(v2sf) =	vpush v53, $0xF;
	(xrf2) =	vadd.scan.msk.f32 $0xffff, v42  }
0xd9: {  	[tilespmem:s17+$0xB0] =	vst v46;
	v55 =	vadd.f32 s6, v57;
	v57 =	vld [tilespmem:s16+$0xF0];
	s10 =	sadd.f32 s18, s10;
	s18 =	spop (v2sf);
	v59, _, _ =	vpop (xrf2);
	(v2sf) =	vpush v56, $0xF;
	(xrf2) =	vadd.scan.msk.f32 $0xffff, v45  }
0xda: {  	[tilespmem:s17+$0x130] =	vst v49;
	v58 =	vadd.f32 s7, v60;
	v60 =	vld [tilespmem:s16+$0x170];
	s5 =	sadd.f32 s18, s5;
	s18 =	spop (v2sf);
	(v2sf) =	vpush v59, $0xF;
	v62, _, _ =	vpop (xrf2);
	(xrf2) =	vadd.scan.msk.f32 $0xffff, v48  }
0xdb: {  	[tilespmem:s17+$0x1B0] =	vst v52;
	v61 =	vadd.f32 s8, v63;
	v63 =	vld [tilespmem:s16+$0x1F0];
	v21, _, _ =	vpop (xrf2);
	(xrf2) =	vadd.scan.msk.f32 $0xffff, v51;
	s6 =	sadd.f32 s18, s6;
	s18 =	spop (v2sf);
	(v2sf) =	vpush v62, $0xF  }
0xdc: {  	[tilespmem:s17+$0xFFFFFE40] =	vst v55;
	v23, _, _ =	vpop (xrf2);
	s7 =	sadd.f32 s18, s7;
	s18 =	spop (v2sf);
	(v2sf) =	vpush v21, $0xF  }
0xdd: {  	[tilespmem:s17+$0xFFFFFEC0] =	vst v58;
	v22 =	vadd.f32 s3, v12;
	(xrf2) =	vadd.scan.msk.f32 $0xffff, v54;
	v25, _, _ =	vpop (xrf2);
	s8 =	sadd.f32 s18, s8;
	s18 =	spop (v2sf);
	(v2sf) =	vpush v23, $0xF  }
0xde: {  	[tilespmem:s17+$0xFFFFFF40] =	vst v61;
	v24 =	vadd.f32 s14, v26;
	(xrf2) =	vadd.scan.msk.f32 $0xffff, v57;
	v27, _, _ =	vpop (xrf2);
	s3 =	sadd.f32 s18, s3;
	s18 =	spop (v2sf);
	(v2sf) =	vpush v25, $0xF  }
0xdf: {  	[tilespmem:s17+$0xFFFFFFC0] =	vst v22;
	v26 =	vadd.f32 s9, v29;
	(xrf2) =	vadd.scan.msk.f32 $0xffff, v60;
	s14 =	sadd.f32 s18, s14;
	s18 =	spop (v2sf);
	v30, _, _ =	vpop (xrf2);
	(v2sf) =	vpush v27, $0xF  }
0xe0: {  	[tilespmem:s17+$0x40] =	vst v24;
	v28 =	vadd.f32 s10, v32;
	(xrf2) =	vadd.scan.msk.f32 $0xffff, v63;
	v31, _, _ =	vpop (xrf2);
	s9 =	sadd.f32 s18, s9;
	s18 =	spop (v2sf);
	(v2sf) =	vpush v30, $0xF  }
0xe1: {  	[tilespmem:s17+$0xC0] =	vst v26;
	v29 =	vadd.f32 s5, v35;
	v33, _, _ =	vpop (xrf2);
	s10 =	sadd.f32 s18, s10;
	s18 =	spop (v2sf);
	(v2sf) =	vpush v31, $0xF  }
0xe2: {  	[tilespmem:s17+$0x140] =	vst v28;
	v32 =	vadd.f32 s6, v38;
	v35, _, _ =	vpop (xrf2);
	s5 =	sadd.f32 s18, s5;
	s18 =	spop (v2sf);
	(v2sf) =	vpush v33, $0xF  }
0xe3: {  	[tilespmem:s17+$0x1C0] =	vst v29;
	v34 =	vadd.f32 s7, v41;
	v37, _, _ =	vpop (xrf2);
	s6 =	sadd.f32 s18, s6;
	s18 =	spop (v2sf);
	(v2sf) =	vpush v35, $0xF  }
0xe4: {  	[tilespmem:s17+$0xFFFFFE50] =	vst v32;
	v36 =	vadd.f32 s8, v44;
	v39, _, _ =	vpop (xrf2);
	s7 =	sadd.f32 s18, s7;
	s18 =	spop (v2sf);
	(v2sf) =	vpush v37, $0xF  }
0xe5: {  	[tilespmem:s17+$0xFFFFFED0] =	vst v34;
	v38 =	vadd.f32 s3, v47;
	v41, _, _ =	vpop (xrf2);
	s8 =	sadd.f32 s18, s8;
	s18 =	spop (v2sf);
	(v2sf) =	vpush v39, $0xF  }
0xe6: {  	[tilespmem:s17+$0xFFFFFF50] =	vst v36;
	v40 =	vadd.f32 s14, v50;
	s3 =	sadd.f32 s18, s3;
	s18 =	spop (v2sf);
	(v2sf) =	vpush v41, $0xF  }
0xe7: {  	[tilespmem:s17+$0xFFFFFFD0] =	vst v38;
	v42 =	vadd.f32 s9, v53;
	v43, _, _ =	vpop (xrf2);
	s14 =	sadd.f32 s18, s14;
	s18 =	spop (v2sf)  }
0xe8: {  	[tilespmem:s17+$0x50] =	vst v40;
	v44 =	vadd.f32 s10, v56;
	v45, _, _ =	vpop (xrf2);
	(v2sf) =	vpush v43, $0xF;
	s9 =	sadd.f32 s18, s9;
	s18 =	spop (v2sf)  }
0xe9: {  	[tilespmem:s17+$0xD0] =	vst v42;
	v46 =	vadd.f32 s5, v59;
	v47, _, _ =	vpop (xrf2);
	(v2sf) =	vpush v45, $0xF;
	s10 =	sadd.f32 s18, s10;
	s18 =	spop (v2sf)  }
0xea: {  	[tilespmem:s17+$0x150] =	vst v44;
	v48 =	vadd.f32 s6, v62;
	v50, _, _ =	vpop (xrf2);
	(v2sf) =	vpush v47, $0xF;
	s5 =	sadd.f32 s18, s5;
	s18 =	spop (v2sf)  }
0xeb: {  	[tilespmem:s17+$0x1D0] =	vst v46;
	v49 =	vadd.f32 s7, v21;
	(v2sf) =	vpush v50, $0xF;
	s6 =	sadd.f32 s18, s6;
	s18 =	spop (v2sf)  }
0xec: {  	[tilespmem:s17+$0xFFFFFE60] =	vst v48;
	v51 =	vadd.f32 s8, v23;
	s7 =	sadd.f32 s18, s7;
	s18 =	spop (v2sf)  }
0xed: {  	[tilespmem:s17+$0xFFFFFEE0] =	vst v49;
	v52 =	vadd.f32 s3, v25;
	s8 =	sadd.f32 s18, s8;
	s18 =	spop (v2sf)  }
0xee: {  	[tilespmem:s17+$0xFFFFFF60] =	vst v51;
	v0 =	vadd.f32 s14, v27;
	s3 =	sadd.f32 s18, s3;
	s18 =	spop (v2sf)  }
0xef: {  	[tilespmem:s17+$0xFFFFFFE0] =	vst v52;
	v53 =	vadd.f32 s9, v30;
	s15 =	sadd.f32 s18, s14;
	s18 =	spop (v2sf)  }
0xf0: {  	[tilespmem:s17+$0x60] =	vst v0;
	v54 =	vadd.f32 s10, v31;
	s9 =	sadd.f32 s18, s9;
	s18 =	spop (v2sf)  }
0xf1: {  	[tilespmem:s17+$0xE0] =	vst v53;
	v55 =	vadd.f32 s5, v33;
	s10 =	sadd.f32 s18, s10;
	s18 =	spop (v2sf)  }
0xf2: {  	[tilespmem:s17+$0x160] =	vst v54;
	v56 =	vadd.f32 s6, v35;
	s5 =	sadd.f32 s18, s5;
	s18 =	spop (v2sf)  }
0xf3: {  	[tilespmem:s17+$0x1E0] =	vst v55;
	v57 =	vadd.f32 s7, v37;
	s14 =	sadd.f32 s18, s6;
	s18 =	spop (v2sf)  }
0xf4: {  	[tilespmem:s17+$0xFFFFFE70] =	vst v56;
	v58 =	vadd.f32 s8, v39;
	s18 =	sadd.f32 s18, s7;
	s7 =	spop (v2sf)  }
0xf5: {  	s1 =	sadd.s32 $0x8, s1;
	[tilespmem:s17+$0xFFFFFEF0] =	vst v57;
	v59 =	vadd.f32 s3, v41;
	s28 =	sadd.f32 s7, s8;
	s7 =	spop (v2sf)  }
0xf6: {  	p1 =	slt.u32 s1, $0x78;
	[tilespmem:s17+$0xFFFFFF70] =	vst v58;
	v60 =	vadd.f32 s15, v43;
	s6 =	sadd.f32 s7, s3  }
.Ltmp3:
0xf7: {  	[tilespmem:s17+$0xFFFFFFF0] =	vst v59;
	v61 =	vadd.f32 s9, v45;
	s8 =	spop (v2sf);
	(pc) =	sbr.rel @p1 .LBB2_5-.Ltmp3, $4  }
0xf8: {  	[tilespmem:s17+$0x70] =	vst v60;
	v62 =	vadd.f32 s10, v47;
	s15 =	sadd.f32 s8, s15;
	s7 =	spop (v2sf)  }
0xf9: {  	[tilespmem:s17+$0xF0] =	vst v61;
	v63 =	vadd.f32 s5, v50;
	s9 =	sadd.f32 s7, s9;
	s8 =	spop (v2sf)  }
0xfa: {  	[tilespmem:s17+$0x170] =	vst v62;
	s8 =	sadd.f32 s8, s10;
	s10 =	spop (v2sf)  }
0xfb: {  	s16 =	sadd.s32 $0x400, s16;
	[tilespmem:s17+$0x1F0] =	vst v63;
	s17 =	sadd.s32 $0x400, s17;
	s7 =	sadd.f32 s10, s5  }
0xfc: {  	s0 =	sshll.u32 s0, $0x8  }
0xfd: {  	s0 =	sadd.s32 s11, s0  }
0xfe: {  	[hbm4b:s0+s4] =	stream.linear.scatter [tilespmem:s22], [sflag:$0x6], $0x4000, $0x38;
	[tilespmem:$0x18000] =	vst v63  }
0xff: {  	s0 =	rddreg [dreg:$0x9]  }
0x100: {  	s0 =	sadd.s32 @!p0 s30, s0  }
0x101: {  	s0 =	sshll.u32 @!p0 s0, $0x8  }
0x102: {  	s1 =	simm.s32 @!p0 $0x0;
	s3 =	simm.s32 @!p0 $0x4000;
	s0 =	sadd.s32 @!p0 s2, s0  }
0x103: {  	[tilespmem:s3], [sflag:$0x2] =	stream.linear.gather @!p0 [hbm4b:s0+s1], $0x4000, $0x38;
	[tilespmem:$0x18000] =	vst v63  }
0x104: {  	s7 =	simm.f32 $0.0e+00;
	_ =	swait.ge [sflag:s23], $0x4000  }
0x105: {  	s16 =	simm.s32 $0x10200;
	s8 =	simm.f32 $0.0e+00;
	[sflag:s23] =	ssyncset.done $0x0  }
0x106: {  	s9 =	simm.f32 $0.0e+00;
	s15 =	simm.f32 $0.0e+00;
	[sflag:s23] =	ssyncadd.s32 $0xFFFFC000  }
0x107: {  	s6 =	simm.f32 $0.0e+00;
	s17 =	simm.f32 $0.0e+00;
	_ =	swait.ge [sflag:s24], $0x4000  }
0x108: {  	s18 =	simm.f32 $0.0e+00;
	s14 =	simm.f32 $0.0e+00;
	[sflag:s24] =	ssyncset.done $0x0  }
0x109: {  	s0 =	simm.s32 $0xFFFFFFF8;
	s1 =	simm.s32 $0x8200;
	[sflag:s24] =	ssyncadd.s32 $0xFFFFC000  }
.LBB2_7:
0x10a: {  	v0 =	vld [tilespmem:s1+$0xFFFFFE00]  }
0x10b: {  	v1 =	vld [tilespmem:s1+$0xFFFFFE80]  }
0x10c: {  	v2 =	vld [tilespmem:s1+$0xFFFFFF00]  }
0x10d: {  	v3 =	vld [tilespmem:s1+$0xFFFFFF80]  }
0x10e: {  	v4 =	vld [tilespmem:s1+$0x0]  }
0x10f: {  	v24 =	vld [tilespmem:s1+$0x80];
	(xrf2) =	vadd.scan.msk.f32 $0xffff, v0  }
0x110: {  	v25 =	vld [tilespmem:s1+$0x100];
	(xrf2) =	vadd.scan.msk.f32 $0xffff, v1  }
0x111: {  	v26 =	vld [tilespmem:s1+$0x180];
	(xrf2) =	vadd.scan.msk.f32 $0xffff, v2  }
0x112: {  	v27 =	vld [tilespmem:s1+$0xFFFFFE10];
	(xrf2) =	vadd.scan.msk.f32 $0xffff, v3  }
0x113: {  	v28 =	vld [tilespmem:s1+$0xFFFFFE90];
	(xrf2) =	vadd.scan.msk.f32 $0xffff, v4  }
0x114: {  	v29 =	vld [tilespmem:s1+$0xFFFFFF10];
	(xrf2) =	vadd.scan.msk.f32 $0xffff, v24  }
0x115: {  	v30 =	vld [tilespmem:s1+$0xFFFFFF90];
	(xrf2) =	vadd.scan.msk.f32 $0xffff, v25  }
0x116: {  	v31 =	vld [tilespmem:s1+$0x10];
	(xrf2) =	vadd.scan.msk.f32 $0xffff, v26  }
0x117: {  	v32 =	vld [tilespmem:s1+$0x90];
	(xrf2) =	vadd.scan.msk.f32 $0xffff, v27  }
0x118: {  	v33 =	vld [tilespmem:s1+$0x110];
	(xrf2) =	vadd.scan.msk.f32 $0xffff, v28  }
0x119: {  	v34 =	vld [tilespmem:s1+$0x190];
	v5, _, _ =	vpop (xrf2);
	(xrf2) =	vadd.scan.msk.f32 $0xffff, v29  }
0x11a: {  	v35 =	vld [tilespmem:s1+$0xFFFFFE20];
	v6, _, _ =	vpop (xrf2);
	(v2sf) =	vpush v5, $0xF;
	(xrf2) =	vadd.scan.msk.f32 $0xffff, v30  }
0x11b: {  	v36 =	vld [tilespmem:s1+$0xFFFFFEA0];
	v7, _, _ =	vpop (xrf2);
	(v2sf) =	vpush v6, $0xF;
	(xrf2) =	vadd.scan.msk.f32 $0xffff, v31  }
0x11c: {  	v37 =	vld [tilespmem:s1+$0xFFFFFF20];
	v8, _, _ =	vpop (xrf2);
	(v2sf) =	vpush v7, $0xF;
	(xrf2) =	vadd.scan.msk.f32 $0xffff, v32  }
0x11d: {  	v38 =	vld [tilespmem:s1+$0xFFFFFFA0];
	v9, _, _ =	vpop (xrf2);
	(v2sf) =	vpush v8, $0xF;
	(xrf2) =	vadd.scan.msk.f32 $0xffff, v33  }
0x11e: {  	v39 =	vld [tilespmem:s1+$0x20];
	v10, _, _ =	vpop (xrf2);
	(v2sf) =	vpush v9, $0xF;
	(xrf2) =	vadd.scan.msk.f32 $0xffff, v34  }
0x11f: {  	v40 =	vld [tilespmem:s1+$0xA0];
	v11, _, _ =	vpop (xrf2);
	(v2sf) =	vpush v10, $0xF;
	(xrf2) =	vadd.scan.msk.f32 $0xffff, v35  }
0x120: {  	v41 =	vld [tilespmem:s1+$0x120];
	v12, _, _ =	vpop (xrf2);
	(v2sf) =	vpush v11, $0xF;
	(xrf2) =	vadd.scan.msk.f32 $0xffff, v36  }
0x121: {  	v42 =	vld [tilespmem:s1+$0x1A0];
	(v2sf) =	vpush v12, $0xF;
	v13, _, _ =	vpop (xrf2);
	(xrf2) =	vadd.scan.msk.f32 $0xffff, v37  }
0x122: {  	v43 =	vld [tilespmem:s1+$0xFFFFFE30];
	v14, _, _ =	vpop (xrf2);
	(v2sf) =	vpush v13, $0xF;
	(xrf2) =	vadd.scan.msk.f32 $0xffff, v38  }
0x123: {  	v44 =	vld [tilespmem:s1+$0xFFFFFEB0];
	v15, _, _ =	vpop (xrf2);
	(v2sf) =	vpush v14, $0xF;
	(xrf2) =	vadd.scan.msk.f32 $0xffff, v39  }
0x124: {  	v45 =	vld [tilespmem:s1+$0xFFFFFF30];
	v16, _, _ =	vpop (xrf2);
	(v2sf) =	vpush v15, $0xF;
	(xrf2) =	vadd.scan.msk.f32 $0xffff, v40  }
0x125: {  	v46 =	vld [tilespmem:s1+$0xFFFFFFB0];
	v17, _, _ =	vpop (xrf2);
	(v2sf) =	vpush v16, $0xF;
	(xrf2) =	vadd.scan.msk.f32 $0xffff, v41  }
0x126: {  	v47 =	vld [tilespmem:s1+$0x30];
	v18, _, _ =	vpop (xrf2);
	(v2sf) =	vpush v17, $0xF;
	(xrf2) =	vadd.scan.msk.f32 $0xffff, v42  }
0x127: {  	v48 =	vld [tilespmem:s1+$0xB0];
	v5 =	vadd.f32 s14, v5;
	v19, _, _ =	vpop (xrf2);
	(v2sf) =	vpush v18, $0xF;
	(xrf2) =	vadd.scan.msk.f32 $0xffff, v43  }
0x128: {  	v49 =	vld [tilespmem:s1+$0x130];
	v6 =	vadd.f32 s18, v6;
	v20, _, _ =	vpop (xrf2);
	(v2sf) =	vpush v19, $0xF;
	(xrf2) =	vadd.scan.msk.f32 $0xffff, v44  }
0x129: {  	v52 =	vld [tilespmem:s1+$0x1B0];
	v50 =	vadd.f32 s17, v7;
	s3 =	spop (v2sf);
	(v2sf) =	vpush v20, $0xF;
	v51, _, _ =	vpop (xrf2);
	(xrf2) =	vadd.scan.msk.f32 $0xffff, v45  }
0x12a: {  	v55 =	vld [tilespmem:s1+$0xFFFFFE40];
	v53 =	vadd.f32 s6, v8;
	s3 =	sadd.f32 s3, s14;
	s5 =	spop (v2sf);
	v54, _, _ =	vpop (xrf2);
	(v2sf) =	vpush v51, $0xF;
	(xrf2) =	vadd.scan.msk.f32 $0xffff, v46  }
0x12b: {  	v58 =	vld [tilespmem:s1+$0xFFFFFEC0];
	[tilespmem:s16+$0xFFFFFE00] =	vst v5;
	v56 =	vadd.f32 s15, v9;
	s5 =	sadd.f32 s5, s18;
	s10 =	spop (v2sf);
	v57, _, _ =	vpop (xrf2);
	(v2sf) =	vpush v54, $0xF;
	(xrf2) =	vadd.scan.msk.f32 $0xffff, v47  }
0x12c: {  	v61 =	vld [tilespmem:s1+$0xFFFFFF40];
	[tilespmem:s16+$0xFFFFFE80] =	vst v6;
	v59 =	vadd.f32 s9, v10;
	s10 =	sadd.f32 s10, s17;
	s28 =	spop (v2sf);
	v60, _, _ =	vpop (xrf2);
	(v2sf) =	vpush v57, $0xF;
	(xrf2) =	vadd.scan.msk.f32 $0xffff, v48  }
0x12d: {  	v22 =	vld [tilespmem:s1+$0xFFFFFFC0];
	[tilespmem:s16+$0xFFFFFF00] =	vst v50;
	v62 =	vadd.f32 s8, v11;
	s6 =	sadd.f32 s28, s6;
	s17 =	spop (v2sf);
	v63, _, _ =	vpop (xrf2);
	(v2sf) =	vpush v60, $0xF;
	(xrf2) =	vadd.scan.msk.f32 $0xffff, v49  }
0x12e: {  	v25 =	vld [tilespmem:s1+$0x40];
	[tilespmem:s16+$0xFFFFFF80] =	vst v53;
	v23 =	vadd.f32 s7, v12;
	s14 =	sadd.f32 s17, s15;
	s18 =	spop (v2sf);
	v24, _, _ =	vpop (xrf2);
	(v2sf) =	vpush v63, $0xF;
	(xrf2) =	vadd.scan.msk.f32 $0xffff, v52  }
0x12f: {  	v28 =	vld [tilespmem:s1+$0xC0];
	[tilespmem:s16+$0x0] =	vst v56;
	v26 =	vadd.f32 s3, v13;
	s9 =	sadd.f32 s18, s9;
	s28 =	spop (v2sf);
	v27, _, _ =	vpop (xrf2);
	(v2sf) =	vpush v24, $0xF;
	(xrf2) =	vadd.scan.msk.f32 $0xffff, v55  }
0x130: {  	v31 =	vld [tilespmem:s1+$0x140];
	[tilespmem:s16+$0x80] =	vst v59;
	v29 =	vadd.f32 s5, v14;
	s8 =	sadd.f32 s28, s8;
	s17 =	spop (v2sf);
	v30, _, _ =	vpop (xrf2);
	(v2sf) =	vpush v27, $0xF;
	(xrf2) =	vadd.scan.msk.f32 $0xffff, v58  }
0x131: {  	v34 =	vld [tilespmem:s1+$0x1C0];
	[tilespmem:s16+$0x100] =	vst v62;
	v32 =	vadd.f32 s10, v15;
	s7 =	sadd.f32 s17, s7;
	s18 =	spop (v2sf);
	(v2sf) =	vpush v30, $0xF;
	v33, _, _ =	vpop (xrf2);
	(xrf2) =	vadd.scan.msk.f32 $0xffff, v61  }
0x132: {  	v37 =	vld [tilespmem:s1+$0xFFFFFE50];
	[tilespmem:s16+$0x180] =	vst v23;
	v35 =	vadd.f32 s6, v16;
	s3 =	sadd.f32 s18, s3;
	s28 =	spop (v2sf);
	v36, _, _ =	vpop (xrf2);
	(v2sf) =	vpush v33, $0xF;
	(xrf2) =	vadd.scan.msk.f32 $0xffff, v22  }
0x133: {  	v40 =	vld [tilespmem:s1+$0xFFFFFED0];
	[tilespmem:s16+$0xFFFFFE10] =	vst v26;
	v38 =	vadd.f32 s14, v17;
	s5 =	sadd.f32 s28, s5;
	s17 =	spop (v2sf);
	v39, _, _ =	vpop (xrf2);
	(v2sf) =	vpush v36, $0xF;
	(xrf2) =	vadd.scan.msk.f32 $0xffff, v25  }
0x134: {  	v43 =	vld [tilespmem:s1+$0xFFFFFF50];
	[tilespmem:s16+$0xFFFFFE90] =	vst v29;
	v41 =	vadd.f32 s9, v18;
	s10 =	sadd.f32 s17, s10;
	s18 =	spop (v2sf);
	v42, _, _ =	vpop (xrf2);
	(v2sf) =	vpush v39, $0xF;
	(xrf2) =	vadd.scan.msk.f32 $0xffff, v28  }
0x135: {  	v46 =	vld [tilespmem:s1+$0xFFFFFFD0];
	[tilespmem:s16+$0xFFFFFF10] =	vst v32;
	v44 =	vadd.f32 s8, v19;
	s6 =	sadd.f32 s18, s6;
	s28 =	spop (v2sf);
	v45, _, _ =	vpop (xrf2);
	(v2sf) =	vpush v42, $0xF;
	(xrf2) =	vadd.scan.msk.f32 $0xffff, v31  }
0x136: {  	v49 =	vld [tilespmem:s1+$0x50];
	[tilespmem:s16+$0xFFFFFF90] =	vst v35;
	v47 =	vadd.f32 s7, v20;
	s14 =	sadd.f32 s28, s14;
	s17 =	spop (v2sf);
	v48, _, _ =	vpop (xrf2);
	(v2sf) =	vpush v45, $0xF;
	(xrf2) =	vadd.scan.msk.f32 $0xffff, v34  }
0x137: {  	v52 =	vld [tilespmem:s1+$0xD0];
	[tilespmem:s16+$0x10] =	vst v38;
	v50 =	vadd.f32 s3, v51;
	s9 =	sadd.f32 s17, s9;
	s18 =	spop (v2sf);
	v51, _, _ =	vpop (xrf2);
	(v2sf) =	vpush v48, $0xF;
	(xrf2) =	vadd.scan.msk.f32 $0xffff, v37  }
0x138: {  	v55 =	vld [tilespmem:s1+$0x150];
	[tilespmem:s16+$0x90] =	vst v41;
	v53 =	vadd.f32 s5, v54;
	s8 =	sadd.f32 s18, s8;
	s28 =	spop (v2sf);
	v54, _, _ =	vpop (xrf2);
	(v2sf) =	vpush v51, $0xF;
	(xrf2) =	vadd.scan.msk.f32 $0xffff, v40  }
0x139: {  	v58 =	vld [tilespmem:s1+$0x1D0];
	[tilespmem:s16+$0x110] =	vst v44;
	v56 =	vadd.f32 s10, v57;
	s7 =	sadd.f32 s28, s7;
	s17 =	spop (v2sf);
	(v2sf) =	vpush v54, $0xF;
	v57, _, _ =	vpop (xrf2);
	(xrf2) =	vadd.scan.msk.f32 $0xffff, v43  }
0x13a: {  	v61 =	vld [tilespmem:s1+$0xFFFFFE60];
	[tilespmem:s16+$0x190] =	vst v47;
	v59 =	vadd.f32 s6, v60;
	s3 =	sadd.f32 s17, s3;
	s18 =	spop (v2sf);
	v60, _, _ =	vpop (xrf2);
	(v2sf) =	vpush v57, $0xF;
	(xrf2) =	vadd.scan.msk.f32 $0xffff, v46  }
0x13b: {  	v22 =	vld [tilespmem:s1+$0xFFFFFEE0];
	[tilespmem:s16+$0xFFFFFE20] =	vst v50;
	v62 =	vadd.f32 s14, v63;
	s5 =	sadd.f32 s18, s5;
	s28 =	spop (v2sf);
	v63, _, _ =	vpop (xrf2);
	(v2sf) =	vpush v60, $0xF;
	(xrf2) =	vadd.scan.msk.f32 $0xffff, v49  }
0x13c: {  	[tilespmem:s16+$0xFFFFFEA0] =	vst v53;
	v23 =	vadd.f32 s9, v24;
	v24 =	vld [tilespmem:s1+$0xFFFFFF60];
	s10 =	sadd.f32 s28, s10;
	s17 =	spop (v2sf);
	v12, _, _ =	vpop (xrf2);
	(v2sf) =	vpush v63, $0xF;
	(xrf2) =	vadd.scan.msk.f32 $0xffff, v52  }
0x13d: {  	[tilespmem:s16+$0xFFFFFF20] =	vst v56;
	v25 =	vadd.f32 s8, v27;
	v27 =	vld [tilespmem:s1+$0xFFFFFFE0];
	s15 =	sadd.f32 s17, s6;
	s18 =	spop (v2sf);
	v26, _, _ =	vpop (xrf2);
	(v2sf) =	vpush v12, $0xF;
	(xrf2) =	vadd.scan.msk.f32 $0xffff, v55  }
0x13e: {  	[tilespmem:s16+$0xFFFFFFA0] =	vst v59;
	v28 =	vadd.f32 s7, v30;
	v30 =	vld [tilespmem:s1+$0x60];
	s14 =	sadd.f32 s18, s14;
	s28 =	spop (v2sf);
	v29, _, _ =	vpop (xrf2);
	(v2sf) =	vpush v26, $0xF;
	(xrf2) =	vadd.scan.msk.f32 $0xffff, v58  }
0x13f: {  	[tilespmem:s16+$0x20] =	vst v62;
	v31 =	vadd.f32 s3, v33;
	v33 =	vld [tilespmem:s1+$0xE0];
	s9 =	sadd.f32 s28, s9;
	s17 =	spop (v2sf);
	v32, _, _ =	vpop (xrf2);
	(v2sf) =	vpush v29, $0xF;
	(xrf2) =	vadd.scan.msk.f32 $0xffff, v61  }
0x140: {  	[tilespmem:s16+$0xA0] =	vst v23;
	v34 =	vadd.f32 s5, v36;
	v36 =	vld [tilespmem:s1+$0x160];
	s17 =	sadd.f32 s17, s8;
	s18 =	spop (v2sf);
	v35, _, _ =	vpop (xrf2);
	(v2sf) =	vpush v32, $0xF;
	(xrf2) =	vadd.scan.msk.f32 $0xffff, v22  }
0x141: {  	[tilespmem:s16+$0x120] =	vst v25;
	v37 =	vadd.f32 s10, v39;
	v39 =	vld [tilespmem:s1+$0x1E0];
	s18 =	sadd.f32 s18, s7;
	s28 =	spop (v2sf);
	(v2sf) =	vpush v35, $0xF;
	v38, _, _ =	vpop (xrf2);
	(xrf2) =	vadd.scan.msk.f32 $0xffff, v24  }
0x142: {  	[tilespmem:s16+$0x1A0] =	vst v28;
	v40 =	vadd.f32 s15, v42;
	v42 =	vld [tilespmem:s1+$0xFFFFFE70];
	s6 =	sadd.f32 s28, s3;
	s7 =	spop (v2sf);
	v41, _, _ =	vpop (xrf2);
	(v2sf) =	vpush v38, $0xF;
	(xrf2) =	vadd.scan.msk.f32 $0xffff, v27  }
0x143: {  	[tilespmem:s16+$0xFFFFFE30] =	vst v31;
	v43 =	vadd.f32 s14, v45;
	v45 =	vld [tilespmem:s1+$0xFFFFFEF0];
	s7 =	sadd.f32 s7, s5;
	s8 =	spop (v2sf);
	v44, _, _ =	vpop (xrf2);
	(v2sf) =	vpush v41, $0xF;
	(xrf2) =	vadd.scan.msk.f32 $0xffff, v30  }
0x144: {  	[tilespmem:s16+$0xFFFFFEB0] =	vst v34;
	v46 =	vadd.f32 s9, v48;
	v48 =	vld [tilespmem:s1+$0xFFFFFF70];
	s8 =	sadd.f32 s8, s10;
	s10 =	spop (v2sf);
	v47, _, _ =	vpop (xrf2);
	(v2sf) =	vpush v44, $0xF;
	(xrf2) =	vadd.scan.msk.f32 $0xffff, v33  }
0x145: {  	[tilespmem:s16+$0xFFFFFF30] =	vst v37;
	v49 =	vadd.f32 s17, v51;
	v51 =	vld [tilespmem:s1+$0xFFFFFFF0];
	s3 =	sadd.f32 s10, s15;
	s15 =	spop (v2sf);
	v50, _, _ =	vpop (xrf2);
	(v2sf) =	vpush v47, $0xF;
	(xrf2) =	vadd.scan.msk.f32 $0xffff, v36  }
0x146: {  	[tilespmem:s16+$0xFFFFFFB0] =	vst v40;
	s5 =	sadd.f32 s15, s14;
	s28 =	spop (v2sf);
	v53, _, _ =	vpop (xrf2);
	(v2sf) =	vpush v50, $0xF;
	(xrf2) =	vadd.scan.msk.f32 $0xffff, v39  }
0x147: {  	[tilespmem:s16+$0x30] =	vst v43;
	v52 =	vadd.f32 s18, v54;
	v54 =	vld [tilespmem:s1+$0x70];
	s9 =	sadd.f32 s28, s9;
	s14 =	spop (v2sf);
	v56, _, _ =	vpop (xrf2);
	(v2sf) =	vpush v53, $0xF;
	(xrf2) =	vadd.scan.msk.f32 $0xffff, v42  }
0x148: {  	[tilespmem:s16+$0xB0] =	vst v46;
	v55 =	vadd.f32 s6, v57;
	v57 =	vld [tilespmem:s1+$0xF0];
	s10 =	sadd.f32 s14, s17;
	s15 =	spop (v2sf);
	v59, _, _ =	vpop (xrf2);
	(v2sf) =	vpush v56, $0xF;
	(xrf2) =	vadd.scan.msk.f32 $0xffff, v45  }
0x149: {  	[tilespmem:s16+$0x130] =	vst v49;
	v58 =	vadd.f32 s7, v60;
	v60 =	vld [tilespmem:s1+$0x170];
	s14 =	sadd.f32 s15, s18;
	s17 =	spop (v2sf);
	(v2sf) =	vpush v59, $0xF;
	v62, _, _ =	vpop (xrf2);
	(xrf2) =	vadd.scan.msk.f32 $0xffff, v48  }
0x14a: {  	[tilespmem:s16+$0x1B0] =	vst v52;
	v61 =	vadd.f32 s8, v63;
	v63 =	vld [tilespmem:s1+$0x1F0];
	v21, _, _ =	vpop (xrf2);
	(xrf2) =	vadd.scan.msk.f32 $0xffff, v51;
	s6 =	sadd.f32 s17, s6;
	s18 =	spop (v2sf);
	(v2sf) =	vpush v62, $0xF  }
0x14b: {  	[tilespmem:s16+$0xFFFFFE40] =	vst v55;
	v23, _, _ =	vpop (xrf2);
	s7 =	sadd.f32 s18, s7;
	s28 =	spop (v2sf);
	(v2sf) =	vpush v21, $0xF  }
0x14c: {  	[tilespmem:s16+$0xFFFFFEC0] =	vst v58;
	v22 =	vadd.f32 s3, v12;
	(xrf2) =	vadd.scan.msk.f32 $0xffff, v54;
	v25, _, _ =	vpop (xrf2);
	s8 =	sadd.f32 s28, s8;
	s17 =	spop (v2sf);
	(v2sf) =	vpush v23, $0xF  }
0x14d: {  	[tilespmem:s16+$0xFFFFFF40] =	vst v61;
	v24 =	vadd.f32 s5, v26;
	(xrf2) =	vadd.scan.msk.f32 $0xffff, v57;
	v27, _, _ =	vpop (xrf2);
	s3 =	sadd.f32 s17, s3;
	s18 =	spop (v2sf);
	(v2sf) =	vpush v25, $0xF  }
0x14e: {  	[tilespmem:s16+$0xFFFFFFC0] =	vst v22;
	v26 =	vadd.f32 s9, v29;
	(xrf2) =	vadd.scan.msk.f32 $0xffff, v60;
	s5 =	sadd.f32 s18, s5;
	s28 =	spop (v2sf);
	v30, _, _ =	vpop (xrf2);
	(v2sf) =	vpush v27, $0xF  }
0x14f: {  	[tilespmem:s16+$0x40] =	vst v24;
	v28 =	vadd.f32 s10, v32;
	(xrf2) =	vadd.scan.msk.f32 $0xffff, v63;
	v31, _, _ =	vpop (xrf2);
	s9 =	sadd.f32 s28, s9;
	s17 =	spop (v2sf);
	(v2sf) =	vpush v30, $0xF  }
0x150: {  	[tilespmem:s16+$0xC0] =	vst v26;
	v29 =	vadd.f32 s14, v35;
	v33, _, _ =	vpop (xrf2);
	s10 =	sadd.f32 s17, s10;
	s18 =	spop (v2sf);
	(v2sf) =	vpush v31, $0xF  }
0x151: {  	[tilespmem:s16+$0x140] =	vst v28;
	v32 =	vadd.f32 s6, v38;
	v35, _, _ =	vpop (xrf2);
	s14 =	sadd.f32 s18, s14;
	s28 =	spop (v2sf);
	(v2sf) =	vpush v33, $0xF  }
0x152: {  	[tilespmem:s16+$0x1C0] =	vst v29;
	v34 =	vadd.f32 s7, v41;
	v37, _, _ =	vpop (xrf2);
	s6 =	sadd.f32 s28, s6;
	s17 =	spop (v2sf);
	(v2sf) =	vpush v35, $0xF  }
0x153: {  	[tilespmem:s16+$0xFFFFFE50] =	vst v32;
	v36 =	vadd.f32 s8, v44;
	v39, _, _ =	vpop (xrf2);
	s7 =	sadd.f32 s17, s7;
	s18 =	spop (v2sf);
	(v2sf) =	vpush v37, $0xF  }
0x154: {  	[tilespmem:s16+$0xFFFFFED0] =	vst v34;
	v38 =	vadd.f32 s3, v47;
	v41, _, _ =	vpop (xrf2);
	s8 =	sadd.f32 s18, s8;
	s28 =	spop (v2sf);
	(v2sf) =	vpush v39, $0xF  }
0x155: {  	[tilespmem:s16+$0xFFFFFF50] =	vst v36;
	v40 =	vadd.f32 s5, v50;
	s3 =	sadd.f32 s28, s3;
	s17 =	spop (v2sf);
	(v2sf) =	vpush v41, $0xF  }
0x156: {  	[tilespmem:s16+$0xFFFFFFD0] =	vst v38;
	v42 =	vadd.f32 s9, v53;
	v43, _, _ =	vpop (xrf2);
	s5 =	sadd.f32 s17, s5;
	s18 =	spop (v2sf)  }
0x157: {  	[tilespmem:s16+$0x50] =	vst v40;
	v44 =	vadd.f32 s10, v56;
	v45, _, _ =	vpop (xrf2);
	(v2sf) =	vpush v43, $0xF;
	s9 =	sadd.f32 s18, s9;
	s28 =	spop (v2sf)  }
0x158: {  	[tilespmem:s16+$0xD0] =	vst v42;
	v46 =	vadd.f32 s14, v59;
	v47, _, _ =	vpop (xrf2);
	(v2sf) =	vpush v45, $0xF;
	s10 =	sadd.f32 s28, s10;
	s17 =	spop (v2sf)  }
0x159: {  	[tilespmem:s16+$0x150] =	vst v44;
	v48 =	vadd.f32 s6, v62;
	v50, _, _ =	vpop (xrf2);
	(v2sf) =	vpush v47, $0xF;
	s14 =	sadd.f32 s17, s14;
	s18 =	spop (v2sf)  }
0x15a: {  	[tilespmem:s16+$0x1D0] =	vst v46;
	v49 =	vadd.f32 s7, v21;
	(v2sf) =	vpush v50, $0xF;
	s6 =	sadd.f32 s18, s6;
	s28 =	spop (v2sf)  }
0x15b: {  	[tilespmem:s16+$0xFFFFFE60] =	vst v48;
	v51 =	vadd.f32 s8, v23;
	s7 =	sadd.f32 s28, s7;
	s17 =	spop (v2sf)  }
0x15c: {  	[tilespmem:s16+$0xFFFFFEE0] =	vst v49;
	v52 =	vadd.f32 s3, v25;
	s8 =	sadd.f32 s17, s8;
	s18 =	spop (v2sf)  }
0x15d: {  	[tilespmem:s16+$0xFFFFFF60] =	vst v51;
	v0 =	vadd.f32 s5, v27;
	s3 =	sadd.f32 s18, s3;
	s28 =	spop (v2sf)  }
0x15e: {  	[tilespmem:s16+$0xFFFFFFE0] =	vst v52;
	v53 =	vadd.f32 s9, v30;
	s5 =	sadd.f32 s28, s5;
	s17 =	spop (v2sf)  }
0x15f: {  	[tilespmem:s16+$0x60] =	vst v0;
	v54 =	vadd.f32 s10, v31;
	s9 =	sadd.f32 s17, s9;
	s18 =	spop (v2sf)  }
0x160: {  	[tilespmem:s16+$0xE0] =	vst v53;
	v55 =	vadd.f32 s14, v33;
	s10 =	sadd.f32 s18, s10;
	s28 =	spop (v2sf)  }
0x161: {  	[tilespmem:s16+$0x160] =	vst v54;
	v56 =	vadd.f32 s6, v35;
	s28 =	sadd.f32 s28, s14;
	s17 =	spop (v2sf)  }
0x162: {  	[tilespmem:s16+$0x1E0] =	vst v55;
	v57 =	vadd.f32 s7, v37;
	s14 =	sadd.f32 s17, s6;
	s18 =	spop (v2sf)  }
0x163: {  	[tilespmem:s16+$0xFFFFFE70] =	vst v56;
	v58 =	vadd.f32 s8, v39;
	s18 =	sadd.f32 s18, s7;
	s7 =	spop (v2sf)  }
0x164: {  	s0 =	sadd.s32 $0x8, s0;
	[tilespmem:s16+$0xFFFFFEF0] =	vst v57;
	v59 =	vadd.f32 s3, v41;
	s17 =	sadd.f32 s7, s8;
	s8 =	spop (v2sf)  }
0x165: {  	p1 =	slt.u32 s0, $0x78;
	[tilespmem:s16+$0xFFFFFF70] =	vst v58;
	v60 =	vadd.f32 s5, v43;
	s6 =	sadd.f32 s8, s3  }
.Ltmp4:
0x166: {  	[tilespmem:s16+$0xFFFFFFF0] =	vst v59;
	v61 =	vadd.f32 s9, v45;
	s15 =	spop (v2sf);
	(pc) =	sbr.rel @p1 .LBB2_7-.Ltmp4, $4  }
0x167: {  	[tilespmem:s16+$0x70] =	vst v60;
	v62 =	vadd.f32 s10, v47;
	s15 =	sadd.f32 s15, s5;
	s7 =	spop (v2sf)  }
0x168: {  	[tilespmem:s16+$0xF0] =	vst v61;
	v63 =	vadd.f32 s28, v50;
	s9 =	sadd.f32 s7, s9;
	s8 =	spop (v2sf)  }
0x169: {  	[tilespmem:s16+$0x170] =	vst v62;
	s8 =	sadd.f32 s8, s10;
	s10 =	spop (v2sf)  }
0x16a: {  	s1 =	sadd.s32 $0x400, s1;
	[tilespmem:s16+$0x1F0] =	vst v63;
	s16 =	sadd.s32 $0x400, s16;
	s7 =	sadd.f32 s10, s28  }
0x16b: {  	s0 =	sshll.u32 s31, $0x8  }
0x16c: {  	s31 =	sadd.s32 s11, s0  }
0x16d: {  	s0 =	sadd.s32 $0x1000, s31  }
0x16e: {  	[hbm4b:s0+s4] =	stream.linear.scatter [tilespmem:s20], [sflag:$0x5], $0x4000, $0x38;
	[tilespmem:$0x18000] =	vst v63  }
0x16f: {  	s0 =	sadd.s32 @!p0 s30, s13  }
0x170: {  	s0 =	sshll.u32 @!p0 s0, $0x8  }
0x171: {  	s1 =	simm.s32 @!p0 $0x0;
	s3 =	simm.s32 @!p0 $0x8000;
	s0 =	sadd.s32 @!p0 s2, s0  }
0x172: {  	[tilespmem:s3], [sflag:$0x3] =	stream.linear.gather @!p0 [hbm4b:s0+s1], $0x4000, $0x38;
	[tilespmem:$0x18000] =	vst v63  }
0x173: {  	s7 =	simm.f32 $0.0e+00;
	_ =	swait.ge [sflag:s25], $0x4000  }
0x174: {  	s16 =	simm.s32 $0x14200;
	s8 =	simm.f32 $0.0e+00;
	[sflag:s25] =	ssyncset.done $0x0  }
0x175: {  	s9 =	simm.f32 $0.0e+00;
	s15 =	simm.f32 $0.0e+00;
	[sflag:s25] =	ssyncadd.s32 $0xFFFFC000  }
0x176: {  	s6 =	simm.f32 $0.0e+00;
	s17 =	simm.f32 $0.0e+00;
	_ =	swait.ge [sflag:s26], $0x4000  }
0x177: {  	s18 =	simm.f32 $0.0e+00;
	s14 =	simm.f32 $0.0e+00;
	[sflag:s26] =	ssyncset.done $0x0  }
0x178: {  	s0 =	simm.s32 $0xFFFFFFF8;
	s1 =	simm.s32 $0xC200;
	[sflag:s26] =	ssyncadd.s32 $0xFFFFC000  }
.LBB2_9:
0x179: {  	v0 =	vld [tilespmem:s1+$0xFFFFFE00]  }
0x17a: {  	v1 =	vld [tilespmem:s1+$0xFFFFFE80]  }
0x17b: {  	v2 =	vld [tilespmem:s1+$0xFFFFFF00]  }
0x17c: {  	v3 =	vld [tilespmem:s1+$0xFFFFFF80]  }
0x17d: {  	v4 =	vld [tilespmem:s1+$0x0]  }
0x17e: {  	v24 =	vld [tilespmem:s1+$0x80];
	(xrf2) =	vadd.scan.msk.f32 $0xffff, v0  }
0x17f: {  	v25 =	vld [tilespmem:s1+$0x100];
	(xrf2) =	vadd.scan.msk.f32 $0xffff, v1  }
0x180: {  	v26 =	vld [tilespmem:s1+$0x180];
	(xrf2) =	vadd.scan.msk.f32 $0xffff, v2  }
0x181: {  	v27 =	vld [tilespmem:s1+$0xFFFFFE10];
	(xrf2) =	vadd.scan.msk.f32 $0xffff, v3  }
0x182: {  	v28 =	vld [tilespmem:s1+$0xFFFFFE90];
	(xrf2) =	vadd.scan.msk.f32 $0xffff, v4  }
0x183: {  	v29 =	vld [tilespmem:s1+$0xFFFFFF10];
	(xrf2) =	vadd.scan.msk.f32 $0xffff, v24  }
0x184: {  	v30 =	vld [tilespmem:s1+$0xFFFFFF90];
	(xrf2) =	vadd.scan.msk.f32 $0xffff, v25  }
0x185: {  	v31 =	vld [tilespmem:s1+$0x10];
	(xrf2) =	vadd.scan.msk.f32 $0xffff, v26  }
0x186: {  	v32 =	vld [tilespmem:s1+$0x90];
	(xrf2) =	vadd.scan.msk.f32 $0xffff, v27  }
0x187: {  	v33 =	vld [tilespmem:s1+$0x110];
	(xrf2) =	vadd.scan.msk.f32 $0xffff, v28  }
0x188: {  	v34 =	vld [tilespmem:s1+$0x190];
	v5, _, _ =	vpop (xrf2);
	(xrf2) =	vadd.scan.msk.f32 $0xffff, v29  }
0x189: {  	v35 =	vld [tilespmem:s1+$0xFFFFFE20];
	v6, _, _ =	vpop (xrf2);
	(v2sf) =	vpush v5, $0xF;
	(xrf2) =	vadd.scan.msk.f32 $0xffff, v30  }
0x18a: {  	v36 =	vld [tilespmem:s1+$0xFFFFFEA0];
	v7, _, _ =	vpop (xrf2);
	(v2sf) =	vpush v6, $0xF;
	(xrf2) =	vadd.scan.msk.f32 $0xffff, v31  }
0x18b: {  	v37 =	vld [tilespmem:s1+$0xFFFFFF20];
	v8, _, _ =	vpop (xrf2);
	(v2sf) =	vpush v7, $0xF;
	(xrf2) =	vadd.scan.msk.f32 $0xffff, v32  }
0x18c: {  	v38 =	vld [tilespmem:s1+$0xFFFFFFA0];
	v9, _, _ =	vpop (xrf2);
	(v2sf) =	vpush v8, $0xF;
	(xrf2) =	vadd.scan.msk.f32 $0xffff, v33  }
0x18d: {  	v39 =	vld [tilespmem:s1+$0x20];
	v10, _, _ =	vpop (xrf2);
	(v2sf) =	vpush v9, $0xF;
	(xrf2) =	vadd.scan.msk.f32 $0xffff, v34  }
0x18e: {  	v40 =	vld [tilespmem:s1+$0xA0];
	v11, _, _ =	vpop (xrf2);
	(v2sf) =	vpush v10, $0xF;
	(xrf2) =	vadd.scan.msk.f32 $0xffff, v35  }
0x18f: {  	v41 =	vld [tilespmem:s1+$0x120];
	v12, _, _ =	vpop (xrf2);
	(v2sf) =	vpush v11, $0xF;
	(xrf2) =	vadd.scan.msk.f32 $0xffff, v36  }
0x190: {  	v42 =	vld [tilespmem:s1+$0x1A0];
	(v2sf) =	vpush v12, $0xF;
	v13, _, _ =	vpop (xrf2);
	(xrf2) =	vadd.scan.msk.f32 $0xffff, v37  }
0x191: {  	v43 =	vld [tilespmem:s1+$0xFFFFFE30];
	v14, _, _ =	vpop (xrf2);
	(v2sf) =	vpush v13, $0xF;
	(xrf2) =	vadd.scan.msk.f32 $0xffff, v38  }
0x192: {  	v44 =	vld [tilespmem:s1+$0xFFFFFEB0];
	v15, _, _ =	vpop (xrf2);
	(v2sf) =	vpush v14, $0xF;
	(xrf2) =	vadd.scan.msk.f32 $0xffff, v39  }
0x193: {  	v45 =	vld [tilespmem:s1+$0xFFFFFF30];
	v16, _, _ =	vpop (xrf2);
	(v2sf) =	vpush v15, $0xF;
	(xrf2) =	vadd.scan.msk.f32 $0xffff, v40  }
0x194: {  	v46 =	vld [tilespmem:s1+$0xFFFFFFB0];
	v17, _, _ =	vpop (xrf2);
	(v2sf) =	vpush v16, $0xF;
	(xrf2) =	vadd.scan.msk.f32 $0xffff, v41  }
0x195: {  	v47 =	vld [tilespmem:s1+$0x30];
	v18, _, _ =	vpop (xrf2);
	(v2sf) =	vpush v17, $0xF;
	(xrf2) =	vadd.scan.msk.f32 $0xffff, v42  }
0x196: {  	v48 =	vld [tilespmem:s1+$0xB0];
	v5 =	vadd.f32 s14, v5;
	v19, _, _ =	vpop (xrf2);
	(v2sf) =	vpush v18, $0xF;
	(xrf2) =	vadd.scan.msk.f32 $0xffff, v43  }
0x197: {  	v49 =	vld [tilespmem:s1+$0x130];
	v6 =	vadd.f32 s18, v6;
	v20, _, _ =	vpop (xrf2);
	(v2sf) =	vpush v19, $0xF;
	(xrf2) =	vadd.scan.msk.f32 $0xffff, v44  }
0x198: {  	v52 =	vld [tilespmem:s1+$0x1B0];
	v50 =	vadd.f32 s17, v7;
	s3 =	spop (v2sf);
	(v2sf) =	vpush v20, $0xF;
	v51, _, _ =	vpop (xrf2);
	(xrf2) =	vadd.scan.msk.f32 $0xffff, v45  }
0x199: {  	v55 =	vld [tilespmem:s1+$0xFFFFFE40];
	v53 =	vadd.f32 s6, v8;
	s3 =	sadd.f32 s3, s14;
	s5 =	spop (v2sf);
	v54, _, _ =	vpop (xrf2);
	(v2sf) =	vpush v51, $0xF;
	(xrf2) =	vadd.scan.msk.f32 $0xffff, v46  }
0x19a: {  	v58 =	vld [tilespmem:s1+$0xFFFFFEC0];
	[tilespmem:s16+$0xFFFFFE00] =	vst v5;
	v56 =	vadd.f32 s15, v9;
	s5 =	sadd.f32 s5, s18;
	s10 =	spop (v2sf);
	v57, _, _ =	vpop (xrf2);
	(v2sf) =	vpush v54, $0xF;
	(xrf2) =	vadd.scan.msk.f32 $0xffff, v47  }
0x19b: {  	v61 =	vld [tilespmem:s1+$0xFFFFFF40];
	[tilespmem:s16+$0xFFFFFE80] =	vst v6;
	v59 =	vadd.f32 s9, v10;
	s10 =	sadd.f32 s10, s17;
	s28 =	spop (v2sf);
	v60, _, _ =	vpop (xrf2);
	(v2sf) =	vpush v57, $0xF;
	(xrf2) =	vadd.scan.msk.f32 $0xffff, v48  }
0x19c: {  	v22 =	vld [tilespmem:s1+$0xFFFFFFC0];
	[tilespmem:s16+$0xFFFFFF00] =	vst v50;
	v62 =	vadd.f32 s8, v11;
	s6 =	sadd.f32 s28, s6;
	s17 =	spop (v2sf);
	v63, _, _ =	vpop (xrf2);
	(v2sf) =	vpush v60, $0xF;
	(xrf2) =	vadd.scan.msk.f32 $0xffff, v49  }
0x19d: {  	v25 =	vld [tilespmem:s1+$0x40];
	[tilespmem:s16+$0xFFFFFF80] =	vst v53;
	v23 =	vadd.f32 s7, v12;
	s14 =	sadd.f32 s17, s15;
	s18 =	spop (v2sf);
	v24, _, _ =	vpop (xrf2);
	(v2sf) =	vpush v63, $0xF;
	(xrf2) =	vadd.scan.msk.f32 $0xffff, v52  }
0x19e: {  	v28 =	vld [tilespmem:s1+$0xC0];
	[tilespmem:s16+$0x0] =	vst v56;
	v26 =	vadd.f32 s3, v13;
	s9 =	sadd.f32 s18, s9;
	s28 =	spop (v2sf);
	v27, _, _ =	vpop (xrf2);
	(v2sf) =	vpush v24, $0xF;
	(xrf2) =	vadd.scan.msk.f32 $0xffff, v55  }
0x19f: {  	v31 =	vld [tilespmem:s1+$0x140];
	[tilespmem:s16+$0x80] =	vst v59;
	v29 =	vadd.f32 s5, v14;
	s8 =	sadd.f32 s28, s8;
	s17 =	spop (v2sf);
	v30, _, _ =	vpop (xrf2);
	(v2sf) =	vpush v27, $0xF;
	(xrf2) =	vadd.scan.msk.f32 $0xffff, v58  }
0x1a0: {  	v34 =	vld [tilespmem:s1+$0x1C0];
	[tilespmem:s16+$0x100] =	vst v62;
	v32 =	vadd.f32 s10, v15;
	s7 =	sadd.f32 s17, s7;
	s18 =	spop (v2sf);
	(v2sf) =	vpush v30, $0xF;
	v33, _, _ =	vpop (xrf2);
	(xrf2) =	vadd.scan.msk.f32 $0xffff, v61  }
0x1a1: {  	v37 =	vld [tilespmem:s1+$0xFFFFFE50];
	[tilespmem:s16+$0x180] =	vst v23;
	v35 =	vadd.f32 s6, v16;
	s3 =	sadd.f32 s18, s3;
	s28 =	spop (v2sf);
	v36, _, _ =	vpop (xrf2);
	(v2sf) =	vpush v33, $0xF;
	(xrf2) =	vadd.scan.msk.f32 $0xffff, v22  }
0x1a2: {  	v40 =	vld [tilespmem:s1+$0xFFFFFED0];
	[tilespmem:s16+$0xFFFFFE10] =	vst v26;
	v38 =	vadd.f32 s14, v17;
	s5 =	sadd.f32 s28, s5;
	s17 =	spop (v2sf);
	v39, _, _ =	vpop (xrf2);
	(v2sf) =	vpush v36, $0xF;
	(xrf2) =	vadd.scan.msk.f32 $0xffff, v25  }
0x1a3: {  	v43 =	vld [tilespmem:s1+$0xFFFFFF50];
	[tilespmem:s16+$0xFFFFFE90] =	vst v29;
	v41 =	vadd.f32 s9, v18;
	s10 =	sadd.f32 s17, s10;
	s18 =	spop (v2sf);
	v42, _, _ =	vpop (xrf2);
	(v2sf) =	vpush v39, $0xF;
	(xrf2) =	vadd.scan.msk.f32 $0xffff, v28  }
0x1a4: {  	v46 =	vld [tilespmem:s1+$0xFFFFFFD0];
	[tilespmem:s16+$0xFFFFFF10] =	vst v32;
	v44 =	vadd.f32 s8, v19;
	s6 =	sadd.f32 s18, s6;
	s28 =	spop (v2sf);
	v45, _, _ =	vpop (xrf2);
	(v2sf) =	vpush v42, $0xF;
	(xrf2) =	vadd.scan.msk.f32 $0xffff, v31  }
0x1a5: {  	v49 =	vld [tilespmem:s1+$0x50];
	[tilespmem:s16+$0xFFFFFF90] =	vst v35;
	v47 =	vadd.f32 s7, v20;
	s14 =	sadd.f32 s28, s14;
	s17 =	spop (v2sf);
	v48, _, _ =	vpop (xrf2);
	(v2sf) =	vpush v45, $0xF;
	(xrf2) =	vadd.scan.msk.f32 $0xffff, v34  }
0x1a6: {  	v52 =	vld [tilespmem:s1+$0xD0];
	[tilespmem:s16+$0x10] =	vst v38;
	v50 =	vadd.f32 s3, v51;
	s9 =	sadd.f32 s17, s9;
	s18 =	spop (v2sf);
	v51, _, _ =	vpop (xrf2);
	(v2sf) =	vpush v48, $0xF;
	(xrf2) =	vadd.scan.msk.f32 $0xffff, v37  }
0x1a7: {  	v55 =	vld [tilespmem:s1+$0x150];
	[tilespmem:s16+$0x90] =	vst v41;
	v53 =	vadd.f32 s5, v54;
	s8 =	sadd.f32 s18, s8;
	s28 =	spop (v2sf);
	v54, _, _ =	vpop (xrf2);
	(v2sf) =	vpush v51, $0xF;
	(xrf2) =	vadd.scan.msk.f32 $0xffff, v40  }
0x1a8: {  	v58 =	vld [tilespmem:s1+$0x1D0];
	[tilespmem:s16+$0x110] =	vst v44;
	v56 =	vadd.f32 s10, v57;
	s7 =	sadd.f32 s28, s7;
	s17 =	spop (v2sf);
	(v2sf) =	vpush v54, $0xF;
	v57, _, _ =	vpop (xrf2);
	(xrf2) =	vadd.scan.msk.f32 $0xffff, v43  }
0x1a9: {  	v61 =	vld [tilespmem:s1+$0xFFFFFE60];
	[tilespmem:s16+$0x190] =	vst v47;
	v59 =	vadd.f32 s6, v60;
	s3 =	sadd.f32 s17, s3;
	s18 =	spop (v2sf);
	v60, _, _ =	vpop (xrf2);
	(v2sf) =	vpush v57, $0xF;
	(xrf2) =	vadd.scan.msk.f32 $0xffff, v46  }
0x1aa: {  	v22 =	vld [tilespmem:s1+$0xFFFFFEE0];
	[tilespmem:s16+$0xFFFFFE20] =	vst v50;
	v62 =	vadd.f32 s14, v63;
	s5 =	sadd.f32 s18, s5;
	s28 =	spop (v2sf);
	v63, _, _ =	vpop (xrf2);
	(v2sf) =	vpush v60, $0xF;
	(xrf2) =	vadd.scan.msk.f32 $0xffff, v49  }
0x1ab: {  	[tilespmem:s16+$0xFFFFFEA0] =	vst v53;
	v23 =	vadd.f32 s9, v24;
	v24 =	vld [tilespmem:s1+$0xFFFFFF60];
	s10 =	sadd.f32 s28, s10;
	s17 =	spop (v2sf);
	v12, _, _ =	vpop (xrf2);
	(v2sf) =	vpush v63, $0xF;
	(xrf2) =	vadd.scan.msk.f32 $0xffff, v52  }
0x1ac: {  	[tilespmem:s16+$0xFFFFFF20] =	vst v56;
	v25 =	vadd.f32 s8, v27;
	v27 =	vld [tilespmem:s1+$0xFFFFFFE0];
	s15 =	sadd.f32 s17, s6;
	s18 =	spop (v2sf);
	v26, _, _ =	vpop (xrf2);
	(v2sf) =	vpush v12, $0xF;
	(xrf2) =	vadd.scan.msk.f32 $0xffff, v55  }
0x1ad: {  	[tilespmem:s16+$0xFFFFFFA0] =	vst v59;
	v28 =	vadd.f32 s7, v30;
	v30 =	vld [tilespmem:s1+$0x60];
	s14 =	sadd.f32 s18, s14;
	s28 =	spop (v2sf);
	v29, _, _ =	vpop (xrf2);
	(v2sf) =	vpush v26, $0xF;
	(xrf2) =	vadd.scan.msk.f32 $0xffff, v58  }
0x1ae: {  	[tilespmem:s16+$0x20] =	vst v62;
	v31 =	vadd.f32 s3, v33;
	v33 =	vld [tilespmem:s1+$0xE0];
	s9 =	sadd.f32 s28, s9;
	s17 =	spop (v2sf);
	v32, _, _ =	vpop (xrf2);
	(v2sf) =	vpush v29, $0xF;
	(xrf2) =	vadd.scan.msk.f32 $0xffff, v61  }
0x1af: {  	[tilespmem:s16+$0xA0] =	vst v23;
	v34 =	vadd.f32 s5, v36;
	v36 =	vld [tilespmem:s1+$0x160];
	s17 =	sadd.f32 s17, s8;
	s18 =	spop (v2sf);
	v35, _, _ =	vpop (xrf2);
	(v2sf) =	vpush v32, $0xF;
	(xrf2) =	vadd.scan.msk.f32 $0xffff, v22  }
0x1b0: {  	[tilespmem:s16+$0x120] =	vst v25;
	v37 =	vadd.f32 s10, v39;
	v39 =	vld [tilespmem:s1+$0x1E0];
	s18 =	sadd.f32 s18, s7;
	s28 =	spop (v2sf);
	(v2sf) =	vpush v35, $0xF;
	v38, _, _ =	vpop (xrf2);
	(xrf2) =	vadd.scan.msk.f32 $0xffff, v24  }
0x1b1: {  	[tilespmem:s16+$0x1A0] =	vst v28;
	v40 =	vadd.f32 s15, v42;
	v42 =	vld [tilespmem:s1+$0xFFFFFE70];
	s6 =	sadd.f32 s28, s3;
	s7 =	spop (v2sf);
	v41, _, _ =	vpop (xrf2);
	(v2sf) =	vpush v38, $0xF;
	(xrf2) =	vadd.scan.msk.f32 $0xffff, v27  }
0x1b2: {  	[tilespmem:s16+$0xFFFFFE30] =	vst v31;
	v43 =	vadd.f32 s14, v45;
	v45 =	vld [tilespmem:s1+$0xFFFFFEF0];
	s7 =	sadd.f32 s7, s5;
	s8 =	spop (v2sf);
	v44, _, _ =	vpop (xrf2);
	(v2sf) =	vpush v41, $0xF;
	(xrf2) =	vadd.scan.msk.f32 $0xffff, v30  }
0x1b3: {  	[tilespmem:s16+$0xFFFFFEB0] =	vst v34;
	v46 =	vadd.f32 s9, v48;
	v48 =	vld [tilespmem:s1+$0xFFFFFF70];
	s8 =	sadd.f32 s8, s10;
	s10 =	spop (v2sf);
	v47, _, _ =	vpop (xrf2);
	(v2sf) =	vpush v44, $0xF;
	(xrf2) =	vadd.scan.msk.f32 $0xffff, v33  }
0x1b4: {  	[tilespmem:s16+$0xFFFFFF30] =	vst v37;
	v49 =	vadd.f32 s17, v51;
	v51 =	vld [tilespmem:s1+$0xFFFFFFF0];
	s3 =	sadd.f32 s10, s15;
	s15 =	spop (v2sf);
	v50, _, _ =	vpop (xrf2);
	(v2sf) =	vpush v47, $0xF;
	(xrf2) =	vadd.scan.msk.f32 $0xffff, v36  }
0x1b5: {  	[tilespmem:s16+$0xFFFFFFB0] =	vst v40;
	s5 =	sadd.f32 s15, s14;
	s28 =	spop (v2sf);
	v53, _, _ =	vpop (xrf2);
	(v2sf) =	vpush v50, $0xF;
	(xrf2) =	vadd.scan.msk.f32 $0xffff, v39  }
0x1b6: {  	[tilespmem:s16+$0x30] =	vst v43;
	v52 =	vadd.f32 s18, v54;
	v54 =	vld [tilespmem:s1+$0x70];
	s9 =	sadd.f32 s28, s9;
	s14 =	spop (v2sf);
	v56, _, _ =	vpop (xrf2);
	(v2sf) =	vpush v53, $0xF;
	(xrf2) =	vadd.scan.msk.f32 $0xffff, v42  }
0x1b7: {  	[tilespmem:s16+$0xB0] =	vst v46;
	v55 =	vadd.f32 s6, v57;
	v57 =	vld [tilespmem:s1+$0xF0];
	s10 =	sadd.f32 s14, s17;
	s15 =	spop (v2sf);
	v59, _, _ =	vpop (xrf2);
	(v2sf) =	vpush v56, $0xF;
	(xrf2) =	vadd.scan.msk.f32 $0xffff, v45  }
0x1b8: {  	[tilespmem:s16+$0x130] =	vst v49;
	v58 =	vadd.f32 s7, v60;
	v60 =	vld [tilespmem:s1+$0x170];
	s14 =	sadd.f32 s15, s18;
	s17 =	spop (v2sf);
	(v2sf) =	vpush v59, $0xF;
	v62, _, _ =	vpop (xrf2);
	(xrf2) =	vadd.scan.msk.f32 $0xffff, v48  }
0x1b9: {  	[tilespmem:s16+$0x1B0] =	vst v52;
	v61 =	vadd.f32 s8, v63;
	v63 =	vld [tilespmem:s1+$0x1F0];
	v21, _, _ =	vpop (xrf2);
	(xrf2) =	vadd.scan.msk.f32 $0xffff, v51;
	s6 =	sadd.f32 s17, s6;
	s18 =	spop (v2sf);
	(v2sf) =	vpush v62, $0xF  }
0x1ba: {  	[tilespmem:s16+$0xFFFFFE40] =	vst v55;
	v23, _, _ =	vpop (xrf2);
	s7 =	sadd.f32 s18, s7;
	s28 =	spop (v2sf);
	(v2sf) =	vpush v21, $0xF  }
0x1bb: {  	[tilespmem:s16+$0xFFFFFEC0] =	vst v58;
	v22 =	vadd.f32 s3, v12;
	(xrf2) =	vadd.scan.msk.f32 $0xffff, v54;
	v25, _, _ =	vpop (xrf2);
	s8 =	sadd.f32 s28, s8;
	s17 =	spop (v2sf);
	(v2sf) =	vpush v23, $0xF  }
0x1bc: {  	[tilespmem:s16+$0xFFFFFF40] =	vst v61;
	v24 =	vadd.f32 s5, v26;
	(xrf2) =	vadd.scan.msk.f32 $0xffff, v57;
	v27, _, _ =	vpop (xrf2);
	s3 =	sadd.f32 s17, s3;
	s18 =	spop (v2sf);
	(v2sf) =	vpush v25, $0xF  }
0x1bd: {  	[tilespmem:s16+$0xFFFFFFC0] =	vst v22;
	v26 =	vadd.f32 s9, v29;
	(xrf2) =	vadd.scan.msk.f32 $0xffff, v60;
	s5 =	sadd.f32 s18, s5;
	s28 =	spop (v2sf);
	v30, _, _ =	vpop (xrf2);
	(v2sf) =	vpush v27, $0xF  }
0x1be: {  	[tilespmem:s16+$0x40] =	vst v24;
	v28 =	vadd.f32 s10, v32;
	(xrf2) =	vadd.scan.msk.f32 $0xffff, v63;
	v31, _, _ =	vpop (xrf2);
	s9 =	sadd.f32 s28, s9;
	s17 =	spop (v2sf);
	(v2sf) =	vpush v30, $0xF  }
0x1bf: {  	[tilespmem:s16+$0xC0] =	vst v26;
	v29 =	vadd.f32 s14, v35;
	v33, _, _ =	vpop (xrf2);
	s10 =	sadd.f32 s17, s10;
	s18 =	spop (v2sf);
	(v2sf) =	vpush v31, $0xF  }
0x1c0: {  	[tilespmem:s16+$0x140] =	vst v28;
	v32 =	vadd.f32 s6, v38;
	v35, _, _ =	vpop (xrf2);
	s14 =	sadd.f32 s18, s14;
	s28 =	spop (v2sf);
	(v2sf) =	vpush v33, $0xF  }
0x1c1: {  	[tilespmem:s16+$0x1C0] =	vst v29;
	v34 =	vadd.f32 s7, v41;
	v37, _, _ =	vpop (xrf2);
	s6 =	sadd.f32 s28, s6;
	s17 =	spop (v2sf);
	(v2sf) =	vpush v35, $0xF  }
0x1c2: {  	[tilespmem:s16+$0xFFFFFE50] =	vst v32;
	v36 =	vadd.f32 s8, v44;
	v39, _, _ =	vpop (xrf2);
	s7 =	sadd.f32 s17, s7;
	s18 =	spop (v2sf);
	(v2sf) =	vpush v37, $0xF  }
0x1c3: {  	[tilespmem:s16+$0xFFFFFED0] =	vst v34;
	v38 =	vadd.f32 s3, v47;
	v41, _, _ =	vpop (xrf2);
	s8 =	sadd.f32 s18, s8;
	s28 =	spop (v2sf);
	(v2sf) =	vpush v39, $0xF  }
0x1c4: {  	[tilespmem:s16+$0xFFFFFF50] =	vst v36;
	v40 =	vadd.f32 s5, v50;
	s3 =	sadd.f32 s28, s3;
	s17 =	spop (v2sf);
	(v2sf) =	vpush v41, $0xF  }
0x1c5: {  	[tilespmem:s16+$0xFFFFFFD0] =	vst v38;
	v42 =	vadd.f32 s9, v53;
	v43, _, _ =	vpop (xrf2);
	s5 =	sadd.f32 s17, s5;
	s18 =	spop (v2sf)  }
0x1c6: {  	[tilespmem:s16+$0x50] =	vst v40;
	v44 =	vadd.f32 s10, v56;
	v45, _, _ =	vpop (xrf2);
	(v2sf) =	vpush v43, $0xF;
	s9 =	sadd.f32 s18, s9;
	s28 =	spop (v2sf)  }
0x1c7: {  	[tilespmem:s16+$0xD0] =	vst v42;
	v46 =	vadd.f32 s14, v59;
	v47, _, _ =	vpop (xrf2);
	(v2sf) =	vpush v45, $0xF;
	s10 =	sadd.f32 s28, s10;
	s17 =	spop (v2sf)  }
0x1c8: {  	[tilespmem:s16+$0x150] =	vst v44;
	v48 =	vadd.f32 s6, v62;
	v50, _, _ =	vpop (xrf2);
	(v2sf) =	vpush v47, $0xF;
	s14 =	sadd.f32 s17, s14;
	s18 =	spop (v2sf)  }
0x1c9: {  	[tilespmem:s16+$0x1D0] =	vst v46;
	v49 =	vadd.f32 s7, v21;
	(v2sf) =	vpush v50, $0xF;
	s6 =	sadd.f32 s18, s6;
	s28 =	spop (v2sf)  }
0x1ca: {  	[tilespmem:s16+$0xFFFFFE60] =	vst v48;
	v51 =	vadd.f32 s8, v23;
	s7 =	sadd.f32 s28, s7;
	s17 =	spop (v2sf)  }
0x1cb: {  	[tilespmem:s16+$0xFFFFFEE0] =	vst v49;
	v52 =	vadd.f32 s3, v25;
	s8 =	sadd.f32 s17, s8;
	s18 =	spop (v2sf)  }
0x1cc: {  	[tilespmem:s16+$0xFFFFFF60] =	vst v51;
	v0 =	vadd.f32 s5, v27;
	s3 =	sadd.f32 s18, s3;
	s28 =	spop (v2sf)  }
0x1cd: {  	[tilespmem:s16+$0xFFFFFFE0] =	vst v52;
	v53 =	vadd.f32 s9, v30;
	s5 =	sadd.f32 s28, s5;
	s17 =	spop (v2sf)  }
0x1ce: {  	[tilespmem:s16+$0x60] =	vst v0;
	v54 =	vadd.f32 s10, v31;
	s9 =	sadd.f32 s17, s9;
	s18 =	spop (v2sf)  }
0x1cf: {  	[tilespmem:s16+$0xE0] =	vst v53;
	v55 =	vadd.f32 s14, v33;
	s10 =	sadd.f32 s18, s10;
	s28 =	spop (v2sf)  }
0x1d0: {  	[tilespmem:s16+$0x160] =	vst v54;
	v56 =	vadd.f32 s6, v35;
	s28 =	sadd.f32 s28, s14;
	s17 =	spop (v2sf)  }
0x1d1: {  	[tilespmem:s16+$0x1E0] =	vst v55;
	v57 =	vadd.f32 s7, v37;
	s14 =	sadd.f32 s17, s6;
	s18 =	spop (v2sf)  }
0x1d2: {  	[tilespmem:s16+$0xFFFFFE70] =	vst v56;
	v58 =	vadd.f32 s8, v39;
	s18 =	sadd.f32 s18, s7;
	s7 =	spop (v2sf)  }
0x1d3: {  	s0 =	sadd.s32 $0x8, s0;
	[tilespmem:s16+$0xFFFFFEF0] =	vst v57;
	v59 =	vadd.f32 s3, v41;
	s17 =	sadd.f32 s7, s8;
	s8 =	spop (v2sf)  }
0x1d4: {  	p1 =	slt.u32 s0, $0x78;
	[tilespmem:s16+$0xFFFFFF70] =	vst v58;
	v60 =	vadd.f32 s5, v43;
	s6 =	sadd.f32 s8, s3  }
.Ltmp5:
0x1d5: {  	[tilespmem:s16+$0xFFFFFFF0] =	vst v59;
	v61 =	vadd.f32 s9, v45;
	s15 =	spop (v2sf);
	(pc) =	sbr.rel @p1 .LBB2_9-.Ltmp5, $4  }
0x1d6: {  	[tilespmem:s16+$0x70] =	vst v60;
	v62 =	vadd.f32 s10, v47;
	s15 =	sadd.f32 s15, s5;
	s7 =	spop (v2sf)  }
0x1d7: {  	[tilespmem:s16+$0xF0] =	vst v61;
	v63 =	vadd.f32 s28, v50;
	s9 =	sadd.f32 s7, s9;
	s8 =	spop (v2sf)  }
0x1d8: {  	[tilespmem:s16+$0x170] =	vst v62;
	s8 =	sadd.f32 s8, s10;
	s10 =	spop (v2sf)  }
0x1d9: {  	s1 =	sadd.s32 $0x400, s1;
	[tilespmem:s16+$0x1F0] =	vst v63;
	s16 =	sadd.s32 $0x400, s16;
	s7 =	sadd.f32 s10, s28  }
.Ltmp6:
0x1da: {  	(pc) =	sbr.rel @p0 .LBB2_12-.Ltmp6, $3  }
0x1db: {  	_ =	sdelay $0x1  }
0x1dc: {  	s0 =	sadd.s32 $0x1800, s31  }
0x1dd: {  	[hbm4b:s0+s4] =	stream.linear.scatter [tilespmem:s22], [sflag:$0x6], $0x4000, $0x38;
	[tilespmem:$0x18000] =	vst v63  }
.Ltmp7:
0x1de: {  	s0 =	rddreg [dreg:$0xa];
	(pc) =	sbr.rel .LBB2_2-.Ltmp7, $4  }
0x1df: {  	s0 =	sadd.s32 s30, s0  }
0x1e0: {  	s0 =	sshll.u32 s0, $0x8  }
0x1e1: {  	s1 =	simm.s32 $0xC000;
	s29 =	sadd.s32 $0x1, s29;
	s0 =	sadd.s32 s2, s0  }
0x1e2: {  	[tilespmem:s1], [sflag:$0x4] =	stream.linear.gather [hbm4b:s0+s4], $0x4000, $0x38;
	[tilespmem:$0x18000] =	vst v63  }
.LBB2_13:
0x1e3: {  	_ =	sfence.sel $0x180000  }
0x1e4: {  	[bflag:$0x0] =	sbarrier.arrive $0xFFFF  }
0x1e5: {  	_ =	strace $0x90000047  }
0x1e6: {  	s0 =	stileid.u32;
	[bflag:$0x2] =	sbarrier.arrive $0xFFFF  }
0x1e7: {  	p0 =	sne.s32 s0, $0x0;
	s0 =	rddreg [dreg:$0x2]  }
0x1e8: {  	s0 =	sadd.s32 @!p0 $0x100000, s0  }
0x1e9: {  	[sflag:s0] =	ssyncadd.tile.s32 @!p0 $0x1;
	_ =	shalt  }
.Lfunc_end2:
_tile_overlayer_lowered:
.L_overlay_start_2:
0x1ea: {  	(tag) =	ssettag $0x2  }
0x1eb: {  	s0 =	rddreg [dreg:$0x0];
	s2 =	stileid.u32  }
0x1ec: {  	s1 =	rddreg [dreg:$0x1];
	p0 =	sne.s32 s2, $0x0  }
0x1ed: {  	s3 =	rddreg [dreg:$0x2];
	[bflag:$0x3] =	sbarrier.arrive $0xFFFF;
	s2 =	simm.s32 @!p0 $0x1C07  }
0x1ee: {  	[timem:s3], [sflag:s2] =	dma.local @!p0 [hbm:s0], s1  }
0x1ef: {  	s0 =	simm.s32 @!p0 $0x7  }
0x1f0: {  	_ =	swait.ge @!p0 [sflag:s0], s1  }
0x1f1: {  	s1 =	ssub.s32 @!p0 $0x0, s1;
	[sflag:s0] =	ssyncset.done @!p0 $0x0  }
0x1f2: {  	[sflag:s0] =	ssyncadd.s32 @!p0 s1  }
0x1f3: {  	[bflag:$0x3] =	sbarrier.arrive $0xFFFF  }
0x1f4: {  	_ =	shalt  }

</sc_bundles>
